<compile_context>
chip_gen: v7x
topology: tpu7x:2x2x1
jax: 0.10.2.dev20260603
libtpu: 0.0.44.dev20260713+nightly
codegen_flags: <defaults>
</compile_context>

<pallas_src>
import functools

import jax
import jax.numpy as jnp
from jax import lax
from jax.experimental import pallas as pl
from jax.experimental.pallas import tpu as pltpu
from jax.experimental.pallas import tpu_sc as plsc

N = 10000
D = 128
E = 320000
NW = 32
N_PAD = 10240
ROWS_W = N_PAD // NW
HALF = N_PAD // 2
SENT = HALF
N_RAW = HALF + 8
N_ACC = 10112
ASTRIPE = N_ACC // 16
JUNK = 10104
BLK = 24
CPB = 8
NCHUNK = 108
NBLK = CPB * NCHUNK
E_PAD = 16 * NBLK * BLK


def _sc_mesh():
    return plsc.VectorSubcoreMesh(core_axis_name="c", subcore_axis_name="s")


def _emb_gather(vid_pad, emb_table):
    @functools.partial(
        pl.kernel,
        out_type=jax.ShapeDtypeStruct((N_PAD, D), jnp.float32),
        mesh=_sc_mesh(),
        scratch_types=[
            pltpu.VMEM((ROWS_W,), jnp.int32),
            pltpu.VMEM((ROWS_W, D), jnp.float32),
            pltpu.SemaphoreType.DMA,
        ],
    )
    def k(vid_hbm, emb_hbm, out_hbm, idx_v, rows_v, sem):
        wid = lax.axis_index("s") * 2 + lax.axis_index("c")
        base = wid * ROWS_W
        pltpu.sync_copy(vid_hbm.at[pl.ds(base, ROWS_W)], idx_v)
        pltpu.async_copy(emb_hbm.at[idx_v], rows_v, sem).wait()
        pltpu.sync_copy(rows_v, out_hbm.at[pl.ds(base, ROWS_W)])

    return k(vid_pad, emb_table)


def _edge_prop(raw_pad, src4, dst4, zblk):
    @functools.partial(
        pl.kernel,
        out_type=jax.ShapeDtypeStruct((2, N_ACC, D), jnp.float32),
        mesh=_sc_mesh(),
        scratch_types=[
            [pltpu.VMEM((CPB * BLK,), jnp.int32)] * 2,
            [pltpu.VMEM((CPB, BLK), jnp.int32)] * 2,
            [pltpu.VMEM((BLK, D), jnp.float32)] * 2,
            pltpu.VMEM_SHARED((N_RAW, D), jnp.float32),
            pltpu.VMEM_SHARED((N_ACC, D), jnp.float32),
            [pltpu.SemaphoreType.DMA] * 2,
            [pltpu.SemaphoreType.DMA] * 2,
            [pltpu.SemaphoreType.DMA] * 2,
        ],
    )
    def k(raw_hbm, src_hbm, dst_hbm, z_hbm, out_hbm, srcc, dstc, rows,
          raw_sh, acc_sh, gsems, ssems, dsems):
        cid = lax.axis_index("c")
        sid = lax.axis_index("s")
        lo = cid * HALF

        pltpu.sync_copy(raw_hbm.at[pl.ds(lo + sid * ROWS_W, ROWS_W)],
                        raw_sh.at[pl.ds(sid * ROWS_W, ROWS_W)])

        @pl.when(sid == 15)
        def _():
            pltpu.sync_copy(z_hbm.at[pl.ds(0, 8)],
                            raw_sh.at[pl.ds(SENT, N_RAW - SENT)])

        pltpu.sync_copy(z_hbm, acc_sh.at[pl.ds(sid * ASTRIPE, ASTRIPE)])

        def prefetch(c, cb):
            pltpu.async_copy(src_hbm.at[sid, c, 0], srcc[cb], ssems[cb])
            pltpu.async_copy(dst_hbm.at[sid, c], dstc[cb], dsems[cb])

        def mask_chunk(cb):
            for u in range(CPB * BLK // 16):
                s16 = srcc[cb][pl.ds(u * 16, 16)]
                hit = (s16 >= lo) & (s16 < lo + HALF)
                srcc[cb][pl.ds(u * 16, 16)] = jnp.where(hit, s16 - lo, SENT)

        def gather(cb, i, b):
            pltpu.async_copy(raw_sh.at[srcc[cb].at[pl.ds(i * BLK, BLK)]],
                             rows[b], gsems[b])

        def chunk(c, cb):
            pltpu.make_async_copy(src_hbm.at[sid, c, 0], srcc[cb],
                                  ssems[cb]).wait()
            pltpu.make_async_copy(dst_hbm.at[sid, c], dstc[cb],
                                  dsems[cb]).wait()
            mask_chunk(cb)
            for i in range(2):
                gather(cb, i, i % 2)
            for i in range(CPB):
                b = i % 2
                pltpu.make_async_copy(
                    raw_sh.at[srcc[cb].at[pl.ds(i * BLK, BLK)]], rows[b],
                    gsems[b]).wait()
                pltpu.sync_copy(rows[b], acc_sh.at[dstc[cb].at[i]], add=True)
                if i + 2 < CPB:
                    gather(cb, i + 2, b)

            @pl.when(c + 2 < NCHUNK)
            def _():
                prefetch(c + 2, cb)

        plsc.subcore_barrier()
        for cb in range(2):
            prefetch(cb, cb)

        def body(t, carry):
            for cb in range(2):
                chunk(2 * t + cb, cb)
            return carry

        lax.fori_loop(0, NCHUNK // 2, body, 0)

        plsc.subcore_barrier()
        pltpu.sync_copy(acc_sh.at[pl.ds(sid * ASTRIPE, ASTRIPE)],
                        out_hbm.at[cid, pl.ds(sid * ASTRIPE, ASTRIPE)])

    return k(raw_pad, src4, dst4, zblk)


def _tc_head(raw_in, partials, labels2, W_self, W_nbr, b_gnn2, W_out, b_out2):
    def body(raw_ref, p_ref, lab_ref, ws_ref, wn_ref, bg_ref, wo_ref, bo_ref,
             logits_ref, loss_ref):
        raw = raw_ref[...]
        agg = p_ref[0] + p_ref[1]
        x = (jnp.dot(raw, ws_ref[...], preferred_element_type=jnp.float32)
             + jnp.dot(agg, wn_ref[...], preferred_element_type=jnp.float32)
             + bg_ref[...])
        x = jnp.maximum(x, 0.0)
        wo = wo_ref[...]
        logits = (jnp.dot(raw, wo[:D], preferred_element_type=jnp.float32)
                  + jnp.dot(x, wo[D:], preferred_element_type=jnp.float32)
                  + bo_ref[...])
        logits_ref[...] = logits
        m = jnp.max(logits, axis=-1, keepdims=True)
        lse = jnp.log(jnp.sum(jnp.exp(logits - m), axis=-1, keepdims=True)) + m
        cls = lax.broadcasted_iota(jnp.int32, logits.shape, 1)
        picked = jnp.sum(jnp.where(cls == lab_ref[...], logits, 0.0),
                         axis=-1, keepdims=True)
        loss_ref[...] = jnp.sum(lse - picked, axis=0, keepdims=True) / N

    return pl.pallas_call(
        body,
        out_shape=(
            jax.ShapeDtypeStruct((N, 10), jnp.float32),
            jax.ShapeDtypeStruct((1, 1), jnp.float32),
        ),
    )(raw_in, partials, labels2, W_self, W_nbr, b_gnn2, W_out, b_out2)


def kernel(vocab_ids, labels, edge_lists, emb_table, W_self, W_nbr, b_gnn,
           W_out, b_out):
    vid = vocab_ids.astype(jnp.int32)
    vid_pad = jnp.pad(vid, (0, N_PAD - N))
    raw_pad = _emb_gather(vid_pad, emb_table)

    src = edge_lists[0].astype(jnp.int32)
    dst = edge_lists[1].astype(jnp.int32)
    src_pad = jnp.pad(src, (0, E_PAD - E))
    dst_pad = jnp.pad(dst, (0, E_PAD - E), constant_values=JUNK)
    src4 = src_pad.reshape(16, NCHUNK, 1, CPB * BLK)
    dst4 = dst_pad.reshape(16, NCHUNK, CPB, BLK)
    zblk = jnp.zeros((ASTRIPE, D), jnp.float32)

    partials = _edge_prop(raw_pad, src4, dst4, zblk)

    logits, loss2 = _tc_head(
        raw_pad[:N],
        partials[:, :N, :],
        labels.astype(jnp.int32).reshape(N, 1),
        W_self, W_nbr,
        b_gnn.reshape(1, D),
        W_out,
        b_out.reshape(1, 10),
    )
    return logits, loss2[0, 0]

# --- scband reference (transcript-rebuilt; emitter-appended) ---
"""Pipeline reference for scband-base-gnnmodel-25194278158852 (READ-ONLY COPY).

The authoritative reference and input builder live on the scoring server;
editing this copy changes nothing except your own understanding.
"""

import jax, jax.numpy as jnp
import numpy as np

N_NODES = 10000
N_EDGES = 320000
D_FEAT = 128
VOCAB = 8192
N_CLASSES = 10


def setup_inputs(seed: int = 0) -> dict:
    key = jax.random.key(seed)
    ks = jax.random.split(key, 9)
    vocab_ids = jax.random.randint(ks[0], (N_NODES,), 0, VOCAB, dtype=jnp.int64) if jax.config.jax_enable_x64 else jax.random.randint(ks[0], (N_NODES,), 0, VOCAB)
    labels = jax.random.randint(ks[1], (N_NODES,), 0, N_CLASSES)
    edge_lists = jax.random.randint(ks[2], (2, N_EDGES), 0, N_NODES)
    emb_table = jax.random.normal(ks[3], (VOCAB, D_FEAT), dtype=jnp.float32) * 0.02
    W_self = jax.random.normal(ks[4], (D_FEAT, D_FEAT), dtype=jnp.float32) * 0.02
    W_nbr = jax.random.normal(ks[5], (D_FEAT, D_FEAT), dtype=jnp.float32) * 0.02
    b_gnn = jnp.zeros((D_FEAT,), dtype=jnp.float32)
    W_out = jax.random.normal(ks[6], (2 * D_FEAT, N_CLASSES), dtype=jnp.float32) * 0.02
    b_out = jnp.zeros((N_CLASSES,), dtype=jnp.float32)
    return {
        "vocab_ids": vocab_ids,
        "labels": labels,
        "edge_lists": edge_lists,
        "emb_table": emb_table,
        "W_self": W_self,
        "W_nbr": W_nbr,
        "b_gnn": b_gnn,
        "W_out": W_out,
        "b_out": b_out,
    }


def reference(vocab_ids, labels, edge_lists, emb_table, W_self, W_nbr, b_gnn, W_out, b_out):
    # node_embeddings: embedding lookup over vocab ids
    raw_in = jnp.take(emb_table, vocab_ids, axis=0)  # [N, D]
    # gnn: one message-passing step (gather from src, scatter-add to dst)
    src = edge_lists[0]
    dst = edge_lists[1]
    msgs = jnp.take(raw_in, src, axis=0)  # [E, D] gather
    agg = jax.ops.segment_sum(msgs, dst, num_segments=raw_in.shape[0])  # [N, D] scatter-add
    raw_out = jax.nn.relu(raw_in @ W_self + agg @ W_nbr + b_gnn)
    # readout: nodewise prediction from concat(raw_in, raw_out) (no graph labels)
    h = jnp.concatenate([raw_in, raw_out], axis=-1)  # [N, 2D]
    logits = h @ W_out + b_out  # [N, C]
    # metrics: cross-entropy loss (Loss module, num_classes > 1)
    log_probs = jax.nn.log_softmax(logits, axis=-1)
    nll = -jnp.take_along_axis(log_probs, labels[:, None], axis=1)[:, 0]
    loss = jnp.mean(nll)
    return (logits, loss)

if __name__ == "__main__":
    import jax
    _d = setup_inputs()
    print(jax.jit(kernel)(*tuple(_d.values())))

</pallas_src>

<mosaic_0001>
#map = affine_map<(d0, d1) -> (0)>
#map1 = affine_map<(d0, d1) -> (0, 0)>
module attributes {stable_mosaic.version = 14 : i64} {
  func.func @k(%arg0: i32, %arg1: i32, %arg2: memref<10240xi32, #tpu.memory_space<hbm>>, %arg3: memref<8192x128xf32, #tpu.memory_space<hbm>>, %arg4: memref<10240x128xf32, #tpu.memory_space<hbm>>, %arg5: memref<320xi32, #tpu.memory_space<vmem>>, %arg6: memref<320x128xf32, #tpu.memory_space<vmem>>, %arg7: memref<!tpu.dma_semaphore, #tpu.memory_space<semaphore_mem>>) attributes {dimension_semantics = [#tpu.dimension_semantics<core_parallel>, #tpu.dimension_semantics<subcore_parallel>], iteration_bounds = array<i64: 2, 16>, scalar_prefetch = 0 : i64, scratch_operands = 3 : i64, tpu.core_type = #tpu.core_type<sc_vector_subcore>, window_params = [{transform_indices = #map}, {transform_indices = #map1}, {transform_indices = #map1}]} {
    %mul3A = arith.constant 2 : i32
    %mul3A_0 = arith.muli %arg1, %mul3A : i32
    %add3A = arith.addi %mul3A_0, %arg0 : i32
    %mul3A_1 = arith.constant 320 : i32
    %mul3A_2 = arith.muli %add3A, %mul3A_1 : i32
    "tpu.region"() ({
      %run_scoped3A = tpu.sem_alloc : memref<!tpu.dma_semaphore, #tpu.memory_space<semaphore_mem>>
      %dma_start3A_7 = tpu.memref_slice %arg2[%mul3A_2] : memref<10240xi32, #tpu.memory_space<hbm>> -> memref<320xi32, #tpu.memory_space<hbm>>
      %dma_start3A_8 = tpu.memref_slice %arg2[%mul3A_2] : memref<10240xi32, #tpu.memory_space<hbm>> -> memref<320xi32, #tpu.memory_space<hbm>>
      tpu.enqueue_dma source(%dma_start3A_8 : memref<320xi32, #tpu.memory_space<hbm>>) target(%arg5 : memref<320xi32, #tpu.memory_space<vmem>>) target_semaphore(%run_scoped3A : memref<!tpu.dma_semaphore, #tpu.memory_space<semaphore_mem>>)
      %dma_wait3A_9 = tpu.memref_slice %arg2[%mul3A_2] : memref<10240xi32, #tpu.memory_space<hbm>> -> memref<320xi32, #tpu.memory_space<hbm>>
      %dma_wait3A_10 = tpu.memref_slice %arg2[%mul3A_2] : memref<10240xi32, #tpu.memory_space<hbm>> -> memref<320xi32, #tpu.memory_space<hbm>>
      tpu.wait_dma2 semaphore(%run_scoped3A : memref<!tpu.dma_semaphore, #tpu.memory_space<semaphore_mem>>) src(%dma_wait3A_10 : memref<320xi32, #tpu.memory_space<hbm>>) dst(%arg5 : memref<320xi32, #tpu.memory_space<vmem>>)
      tpu.yield
    }) : () -> ()
    %dma_start3A = arith.constant 0 : i32
    %dma_start3A_3 = arith.constant 0 : i32
    %dma_start3A_4 = tpu.memref_slice %arg3[%dma_start3A, %dma_start3A_3] : memref<8192x128xf32, #tpu.memory_space<hbm>> -> memref<8192x128xf32, #tpu.memory_space<hbm>>
    tpu.enqueue_indirect_dma source(%dma_start3A_4 : memref<8192x128xf32, #tpu.memory_space<hbm>>) target(%arg6 : memref<320x128xf32, #tpu.memory_space<vmem>>) offsets(%arg5 : memref<320xi32, #tpu.memory_space<vmem>>) semaphore(%arg7 : memref<!tpu.dma_semaphore, #tpu.memory_space<semaphore_mem>>)
    %dma_wait3A = arith.constant 0 : i32
    %dma_wait3A_5 = arith.constant 0 : i32
    %dma_wait3A_6 = tpu.memref_slice %arg3[%dma_wait3A, %dma_wait3A_5] : memref<8192x128xf32, #tpu.memory_space<hbm>> -> memref<8192x128xf32, #tpu.memory_space<hbm>>
    tpu.wait_indirect_dma semaphore(%arg7 : memref<!tpu.dma_semaphore, #tpu.memory_space<semaphore_mem>>) src(%dma_wait3A_6 : memref<8192x128xf32, #tpu.memory_space<hbm>>) dst(%arg6 : memref<320x128xf32, #tpu.memory_space<vmem>>)
    "tpu.region"() ({
      %run_scoped3A = tpu.sem_alloc : memref<!tpu.dma_semaphore, #tpu.memory_space<semaphore_mem>>
      %dma_start3A_7 = arith.constant 0 : i32
      %dma_start3A_8 = tpu.memref_slice %arg4[%mul3A_2, %dma_start3A_7] : memref<10240x128xf32, #tpu.memory_space<hbm>> -> memref<320x128xf32, #tpu.memory_space<hbm>>
      %dma_start3A_9 = arith.constant 0 : i32
      %dma_start3A_10 = tpu.memref_slice %arg4[%mul3A_2, %dma_start3A_9] : memref<10240x128xf32, #tpu.memory_space<hbm>> -> memref<320x128xf32, #tpu.memory_space<hbm>>
      tpu.enqueue_dma source(%arg6 : memref<320x128xf32, #tpu.memory_space<vmem>>) target(%dma_start3A_10 : memref<320x128xf32, #tpu.memory_space<hbm>>) target_semaphore(%run_scoped3A : memref<!tpu.dma_semaphore, #tpu.memory_space<semaphore_mem>>)
      %dma_wait3A_11 = arith.constant 0 : i32
      %dma_wait3A_12 = tpu.memref_slice %arg4[%mul3A_2, %dma_wait3A_11] : memref<10240x128xf32, #tpu.memory_space<hbm>> -> memref<320x128xf32, #tpu.memory_space<hbm>>
      %dma_wait3A_13 = arith.constant 0 : i32
      %dma_wait3A_14 = tpu.memref_slice %arg4[%mul3A_2, %dma_wait3A_13] : memref<10240x128xf32, #tpu.memory_space<hbm>> -> memref<320x128xf32, #tpu.memory_space<hbm>>
      tpu.wait_dma2 semaphore(%run_scoped3A : memref<!tpu.dma_semaphore, #tpu.memory_space<semaphore_mem>>) src(%arg6 : memref<320x128xf32, #tpu.memory_space<vmem>>) dst(%dma_wait3A_14 : memref<320x128xf32, #tpu.memory_space<hbm>>)
      tpu.yield
    }) : () -> ()
    return
  }
}

#map = affine_map<(d0, d1) -> (0, 0)>
#map1 = affine_map<(d0, d1) -> (0, 0, 0, 0)>
#map2 = affine_map<(d0, d1) -> (0, 0, 0)>
module attributes {stable_mosaic.version = 14 : i64} {
  func.func @k(%arg0: i32, %arg1: i32, %arg2: memref<10240x128xf32, #tpu.memory_space<hbm>>, %arg3: memref<16x108x1x192xi32, #tpu.memory_space<hbm>>, %arg4: memref<16x108x8x24xi32, #tpu.memory_space<hbm>>, %arg5: memref<632x128xf32, #tpu.memory_space<hbm>>, %arg6: memref<2x10112x128xf32, #tpu.memory_space<hbm>>, %arg7: memref<192xi32, #tpu.memory_space<vmem>>, %arg8: memref<192xi32, #tpu.memory_space<vmem>>, %arg9: memref<8x24xi32, #tpu.memory_space<vmem>>, %arg10: memref<8x24xi32, #tpu.memory_space<vmem>>, %arg11: memref<24x128xf32, #tpu.memory_space<vmem>>, %arg12: memref<24x128xf32, #tpu.memory_space<vmem>>, %arg13: memref<5128x128xf32, #tpu.memory_space<vmem_shared>>, %arg14: memref<10112x128xf32, #tpu.memory_space<vmem_shared>>, %arg15: memref<!tpu.dma_semaphore, #tpu.memory_space<semaphore_mem>>, %arg16: memref<!tpu.dma_semaphore, #tpu.memory_space<semaphore_mem>>, %arg17: memref<!tpu.dma_semaphore, #tpu.memory_space<semaphore_mem>>, %arg18: memref<!tpu.dma_semaphore, #tpu.memory_space<semaphore_mem>>, %arg19: memref<!tpu.dma_semaphore, #tpu.memory_space<semaphore_mem>>, %arg20: memref<!tpu.dma_semaphore, #tpu.memory_space<semaphore_mem>>) attributes {dimension_semantics = [#tpu.dimension_semantics<core_parallel>, #tpu.dimension_semantics<subcore_parallel>], iteration_bounds = array<i64: 2, 16>, scalar_prefetch = 0 : i64, scratch_operands = 14 : i64, tpu.core_type = #tpu.core_type<sc_vector_subcore>, window_params = [{transform_indices = #map}, {transform_indices = #map1}, {transform_indices = #map1}, {transform_indices = #map}, {transform_indices = #map2}]} {
    %mul3A = arith.constant 5120 : i32
    %mul3A_0 = arith.muli %arg0, %mul3A : i32
    %mul3A_1 = arith.constant 320 : i32
    %mul3A_2 = arith.muli %arg1, %mul3A_1 : i32
    %add3A = arith.addi %mul3A_0, %mul3A_2 : i32
    %mul3A_3 = arith.constant 320 : i32
    %mul3A_4 = arith.muli %arg1, %mul3A_3 : i32
    "tpu.region"() ({
      %run_scoped3A = tpu.sem_alloc : memref<!tpu.dma_semaphore, #tpu.memory_space<semaphore_mem>>
      %dma_start3A_52 = arith.constant 0 : i32
      %dma_start3A_53 = tpu.memref_slice %arg13[%mul3A_4, %dma_start3A_52] : memref<5128x128xf32, #tpu.memory_space<vmem_shared>> -> memref<320x128xf32, #tpu.memory_space<vmem_shared>>
      %dma_start3A_54 = arith.constant 0 : i32
      %dma_start3A_55 = tpu.memref_slice %arg2[%add3A, %dma_start3A_54] : memref<10240x128xf32, #tpu.memory_space<hbm>> -> memref<320x128xf32, #tpu.memory_space<hbm>>
      tpu.enqueue_dma source(%dma_start3A_55 : memref<320x128xf32, #tpu.memory_space<hbm>>) target(%dma_start3A_53 : memref<320x128xf32, #tpu.memory_space<vmem_shared>>) target_semaphore(%run_scoped3A : memref<!tpu.dma_semaphore, #tpu.memory_space<semaphore_mem>>)
      %dma_wait3A = arith.constant 0 : i32
      %dma_wait3A_56 = tpu.memref_slice %arg13[%mul3A_4, %dma_wait3A] : memref<5128x128xf32, #tpu.memory_space<vmem_shared>> -> memref<320x128xf32, #tpu.memory_space<vmem_shared>>
      %dma_wait3A_57 = arith.constant 0 : i32
      %dma_wait3A_58 = tpu.memref_slice %arg2[%add3A, %dma_wait3A_57] : memref<10240x128xf32, #tpu.memory_space<hbm>> -> memref<320x128xf32, #tpu.memory_space<hbm>>
      tpu.wait_dma2 semaphore(%run_scoped3A : memref<!tpu.dma_semaphore, #tpu.memory_space<semaphore_mem>>) src(%dma_wait3A_58 : memref<320x128xf32, #tpu.memory_space<hbm>>) dst(%dma_wait3A_56 : memref<320x128xf32, #tpu.memory_space<vmem_shared>>)
      tpu.yield
    }) : () -> ()
    %eq3A = arith.constant 15 : i32
    %eq3A_5 = arith.cmpi eq, %arg1, %eq3A : i32
    %convert_element_type3A = arith.extui %eq3A_5 : i1 to i32
    %cond3A = arith.constant 0 : i32
    %cond3A_6 = arith.cmpi ne, %convert_element_type3A, %cond3A : i32
    scf.if %cond3A_6 {
      "tpu.region"() ({
        %run_scoped3A = tpu.sem_alloc : memref<!tpu.dma_semaphore, #tpu.memory_space<semaphore_mem>>
        %dma_start3A_52 = arith.constant 5120 : i32
        %dma_start3A_53 = arith.constant 0 : i32
        %dma_start3A_54 = tpu.memref_slice %arg13[%dma_start3A_52, %dma_start3A_53] : memref<5128x128xf32, #tpu.memory_space<vmem_shared>> -> memref<8x128xf32, #tpu.memory_space<vmem_shared>>
        %dma_start3A_55 = arith.constant 0 : i32
        %dma_start3A_56 = arith.constant 0 : i32
        %dma_start3A_57 = tpu.memref_slice %arg5[%dma_start3A_55, %dma_start3A_56] : memref<632x128xf32, #tpu.memory_space<hbm>> -> memref<8x128xf32, #tpu.memory_space<hbm>>
        tpu.enqueue_dma source(%dma_start3A_57 : memref<8x128xf32, #tpu.memory_space<hbm>>) target(%dma_start3A_54 : memref<8x128xf32, #tpu.memory_space<vmem_shared>>) target_semaphore(%run_scoped3A : memref<!tpu.dma_semaphore, #tpu.memory_space<semaphore_mem>>)
        %dma_wait3A = arith.constant 5120 : i32
        %dma_wait3A_58 = arith.constant 0 : i32
        %dma_wait3A_59 = tpu.memref_slice %arg13[%dma_wait3A, %dma_wait3A_58] : memref<5128x128xf32, #tpu.memory_space<vmem_shared>> -> memref<8x128xf32, #tpu.memory_space<vmem_shared>>
        %dma_wait3A_60 = arith.constant 0 : i32
        %dma_wait3A_61 = arith.constant 0 : i32
        %dma_wait3A_62 = tpu.memref_slice %arg5[%dma_wait3A_60, %dma_wait3A_61] : memref<632x128xf32, #tpu.memory_space<hbm>> -> memref<8x128xf32, #tpu.memory_space<hbm>>
        tpu.wait_dma2 semaphore(%run_scoped3A : memref<!tpu.dma_semaphore, #tpu.memory_space<semaphore_mem>>) src(%dma_wait3A_62 : memref<8x128xf32, #tpu.memory_space<hbm>>) dst(%dma_wait3A_59 : memref<8x128xf32, #tpu.memory_space<vmem_shared>>)
        tpu.yield
      }) : () -> ()
    } else {
    }
    %mul3A_7 = arith.constant 632 : i32
    %mul3A_8 = arith.muli %arg1, %mul3A_7 : i32
    "tpu.region"() ({
      %run_scoped3A = tpu.sem_alloc : memref<!tpu.dma_semaphore, #tpu.memory_space<semaphore_mem>>
      %dma_start3A_52 = arith.constant 0 : i32
      %dma_start3A_53 = tpu.memref_slice %arg14[%mul3A_8, %dma_start3A_52] : memref<10112x128xf32, #tpu.memory_space<vmem_shared>> -> memref<632x128xf32, #tpu.memory_space<vmem_shared>>
      tpu.enqueue_dma source(%arg5 : memref<632x128xf32, #tpu.memory_space<hbm>>) target(%dma_start3A_53 : memref<632x128xf32, #tpu.memory_space<vmem_shared>>) target_semaphore(%run_scoped3A : memref<!tpu.dma_semaphore, #tpu.memory_space<semaphore_mem>>)
      %dma_wait3A = arith.constant 0 : i32
      %dma_wait3A_54 = tpu.memref_slice %arg14[%mul3A_8, %dma_wait3A] : memref<10112x128xf32, #tpu.memory_space<vmem_shared>> -> memref<632x128xf32, #tpu.memory_space<vmem_shared>>
      tpu.wait_dma2 semaphore(%run_scoped3A : memref<!tpu.dma_semaphore, #tpu.memory_space<semaphore_mem>>) src(%arg5 : memref<632x128xf32, #tpu.memory_space<hbm>>) dst(%dma_wait3A_54 : memref<632x128xf32, #tpu.memory_space<vmem_shared>>)
      tpu.yield
    }) : () -> ()
    %barrier3A = arith.constant 0 : index
    tpu.barrier barrier_id(%barrier3A)
    %dma_start3A = arith.constant 0 : i32
    %dma_start3A_9 = arith.constant 0 : i32
    %dma_start3A_10 = arith.constant 0 : i32
    %dma_start3A_11 = tpu.memref_slice %arg3[%arg1, %dma_start3A, %dma_start3A_9, %dma_start3A_10] : memref<16x108x1x192xi32, #tpu.memory_space<hbm>> -> memref<1x1x1x192xi32, #tpu.memory_space<hbm>>
    %dma_start3A_12 = tpu.memref_squeeze %dma_start3A_11 : memref<1x1x1x192xi32, #tpu.memory_space<hbm>> -> memref<192xi32, #tpu.memory_space<hbm>>
    %dma_start3A_13 = arith.constant 0 : i32
    %dma_start3A_14 = tpu.memref_slice %arg3[%arg1, %dma_start3A, %dma_start3A_9, %dma_start3A_13] : memref<16x108x1x192xi32, #tpu.memory_space<hbm>> -> memref<1x1x1x192xi32, #tpu.memory_space<hbm>>
    %dma_start3A_15 = tpu.memref_squeeze %dma_start3A_14 : memref<1x1x1x192xi32, #tpu.memory_space<hbm>> -> memref<192xi32, #tpu.memory_space<hbm>>
    tpu.enqueue_dma source(%dma_start3A_15 : memref<192xi32, #tpu.memory_space<hbm>>) target(%arg7 : memref<192xi32, #tpu.memory_space<vmem>>) target_semaphore(%arg17 : memref<!tpu.dma_semaphore, #tpu.memory_space<semaphore_mem>>)
    %dma_start3A_16 = arith.constant 0 : i32
    %dma_start3A_17 = arith.constant 0 : i32
    %dma_start3A_18 = arith.constant 0 : i32
    %dma_start3A_19 = tpu.memref_slice %arg4[%arg1, %dma_start3A_16, %dma_start3A_17, %dma_start3A_18] : memref<16x108x8x24xi32, #tpu.memory_space<hbm>> -> memref<1x1x8x24xi32, #tpu.memory_space<hbm>>
    %dma_start3A_20 = tpu.memref_squeeze %dma_start3A_19 : memref<1x1x8x24xi32, #tpu.memory_space<hbm>> -> memref<8x24xi32, #tpu.memory_space<hbm>>
    %dma_start3A_21 = arith.constant 0 : i32
    %dma_start3A_22 = arith.constant 0 : i32
    %dma_start3A_23 = tpu.memref_slice %arg4[%arg1, %dma_start3A_16, %dma_start3A_21, %dma_start3A_22] : memref<16x108x8x24xi32, #tpu.memory_space<hbm>> -> memref<1x1x8x24xi32, #tpu.memory_space<hbm>>
    %dma_start3A_24 = tpu.memref_squeeze %dma_start3A_23 : memref<1x1x8x24xi32, #tpu.memory_space<hbm>> -> memref<8x24xi32, #tpu.memory_space<hbm>>
    tpu.enqueue_dma source(%dma_start3A_24 : memref<8x24xi32, #tpu.memory_space<hbm>>) target(%arg9 : memref<8x24xi32, #tpu.memory_space<vmem>>) target_semaphore(%arg19 : memref<!tpu.dma_semaphore, #tpu.memory_space<semaphore_mem>>)
    %dma_start3A_25 = arith.constant 1 : i32
    %dma_start3A_26 = arith.constant 0 : i32
    %dma_start3A_27 = arith.constant 0 : i32
    %dma_start3A_28 = tpu.memref_slice %arg3[%arg1, %dma_start3A_25, %dma_start3A_26, %dma_start3A_27] : memref<16x108x1x192xi32, #tpu.memory_space<hbm>> -> memref<1x1x1x192xi32, #tpu.memory_space<hbm>>
    %dma_start3A_29 = tpu.memref_squeeze %dma_start3A_28 : memref<1x1x1x192xi32, #tpu.memory_space<hbm>> -> memref<192xi32, #tpu.memory_space<hbm>>
    %dma_start3A_30 = arith.constant 0 : i32
    %dma_start3A_31 = tpu.memref_slice %arg3[%arg1, %dma_start3A_25, %dma_start3A_26, %dma_start3A_30] : memref<16x108x1x192xi32, #tpu.memory_space<hbm>> -> memref<1x1x1x192xi32, #tpu.memory_space<hbm>>
    %dma_start3A_32 = tpu.memref_squeeze %dma_start3A_31 : memref<1x1x1x192xi32, #tpu.memory_space<hbm>> -> memref<192xi32, #tpu.memory_space<hbm>>
    tpu.enqueue_dma source(%dma_start3A_32 : memref<192xi32, #tpu.memory_space<hbm>>) target(%arg8 : memref<192xi32, #tpu.memory_space<vmem>>) target_semaphore(%arg18 : memref<!tpu.dma_semaphore, #tpu.memory_space<semaphore_mem>>)
    %dma_start3A_33 = arith.constant 1 : i32
    %dma_start3A_34 = arith.constant 0 : i32
    %dma_start3A_35 = arith.constant 0 : i32
    %dma_start3A_36 = tpu.memref_slice %arg4[%arg1, %dma_start3A_33, %dma_start3A_34, %dma_start3A_35] : memref<16x108x8x24xi32, #tpu.memory_space<hbm>> -> memref<1x1x8x24xi32, #tpu.memory_space<hbm>>
    %dma_start3A_37 = tpu.memref_squeeze %dma_start3A_36 : memref<1x1x8x24xi32, #tpu.memory_space<hbm>> -> memref<8x24xi32, #tpu.memory_space<hbm>>
    %dma_start3A_38 = arith.constant 0 : i32
    %dma_start3A_39 = arith.constant 0 : i32
    %dma_start3A_40 = tpu.memref_slice %arg4[%arg1, %dma_start3A_33, %dma_start3A_38, %dma_start3A_39] : memref<16x108x8x24xi32, #tpu.memory_space<hbm>> -> memref<1x1x8x24xi32, #tpu.memory_space<hbm>>
    %dma_start3A_41 = tpu.memref_squeeze %dma_start3A_40 : memref<1x1x8x24xi32, #tpu.memory_space<hbm>> -> memref<8x24xi32, #tpu.memory_space<hbm>>
    tpu.enqueue_dma source(%dma_start3A_41 : memref<8x24xi32, #tpu.memory_space<hbm>>) target(%arg10 : memref<8x24xi32, #tpu.memory_space<vmem>>) target_semaphore(%arg20 : memref<!tpu.dma_semaphore, #tpu.memory_space<semaphore_mem>>)
    %scan3A = arith.constant 0 : i32
    %scan3A_42 = arith.constant 0 : i32
    %scan3A_43 = arith.constant 54 : i32
    %scan3A_44 = arith.addi %scan3A_42, %scan3A_43 : i32
    %scan3A_45 = arith.constant 1 : i32
    scf.for %scan3A_52 = %scan3A_42 to %scan3A_44 step %scan3A_45  : i32 {
      %mul3A_53 = arith.constant 2 : i32
      %mul3A_54 = arith.muli %mul3A_53, %scan3A_52 : i32
      %add3A_55 = arith.constant 0 : i32
      %add3A_56 = arith.addi %mul3A_54, %add3A_55 : i32
      %dma_wait3A = arith.constant 0 : i32
      %dma_wait3A_57 = arith.constant 0 : i32
      %dma_wait3A_58 = tpu.memref_slice %arg3[%arg1, %add3A_56, %dma_wait3A, %dma_wait3A_57] : memref<16x108x1x192xi32, #tpu.memory_space<hbm>> -> memref<1x1x1x192xi32, #tpu.memory_space<hbm>>
      %dma_wait3A_59 = tpu.memref_squeeze %dma_wait3A_58 : memref<1x1x1x192xi32, #tpu.memory_space<hbm>> -> memref<192xi32, #tpu.memory_space<hbm>>
      %dma_wait3A_60 = arith.constant 0 : i32
      %dma_wait3A_61 = tpu.memref_slice %arg3[%arg1, %add3A_56, %dma_wait3A, %dma_wait3A_60] : memref<16x108x1x192xi32, #tpu.memory_space<hbm>> -> memref<1x1x1x192xi32, #tpu.memory_space<hbm>>
      %dma_wait3A_62 = tpu.memref_squeeze %dma_wait3A_61 : memref<1x1x1x192xi32, #tpu.memory_space<hbm>> -> memref<192xi32, #tpu.memory_space<hbm>>
      tpu.wait_dma2 semaphore(%arg17 : memref<!tpu.dma_semaphore, #tpu.memory_space<semaphore_mem>>) src(%dma_wait3A_62 : memref<192xi32, #tpu.memory_space<hbm>>) dst(%arg7 : memref<192xi32, #tpu.memory_space<vmem>>)
      %dma_wait3A_63 = arith.constant 0 : i32
      %dma_wait3A_64 = arith.constant 0 : i32
      %dma_wait3A_65 = tpu.memref_slice %arg4[%arg1, %add3A_56, %dma_wait3A_63, %dma_wait3A_64] : memref<16x108x8x24xi32, #tpu.memory_space<hbm>> -> memref<1x1x8x24xi32, #tpu.memory_space<hbm>>
      %dma_wait3A_66 = tpu.memref_squeeze %dma_wait3A_65 : memref<1x1x8x24xi32, #tpu.memory_space<hbm>> -> memref<8x24xi32, #tpu.memory_space<hbm>>
      %dma_wait3A_67 = arith.constant 0 : i32
      %dma_wait3A_68 = arith.constant 0 : i32
      %dma_wait3A_69 = tpu.memref_slice %arg4[%arg1, %add3A_56, %dma_wait3A_67, %dma_wait3A_68] : memref<16x108x8x24xi32, #tpu.memory_space<hbm>> -> memref<1x1x8x24xi32, #tpu.memory_space<hbm>>
      %dma_wait3A_70 = tpu.memref_squeeze %dma_wait3A_69 : memref<1x1x8x24xi32, #tpu.memory_space<hbm>> -> memref<8x24xi32, #tpu.memory_space<hbm>>
      tpu.wait_dma2 semaphore(%arg19 : memref<!tpu.dma_semaphore, #tpu.memory_space<semaphore_mem>>) src(%dma_wait3A_70 : memref<8x24xi32, #tpu.memory_space<hbm>>) dst(%arg9 : memref<8x24xi32, #tpu.memory_space<vmem>>)
      %get3A = arith.constant 0 : index
      %get3A_71 = tpu.vector_load %arg7[%get3A] {strides = array<i32>} : memref<192xi32, #tpu.memory_space<vmem>>, vector<16xi32>,
      %get3A_72 = vector.shape_cast %get3A_71 : vector<16xi32> to vector<16xi32>
      %ge3A = vector.broadcast %mul3A_0 : i32 to vector<16xi32>
      %ge3A_73 = arith.cmpi sge, %get3A_72, %ge3A : vector<16xi32>
      %add3A_74 = arith.constant 5120 : i32
      %add3A_75 = arith.addi %mul3A_0, %add3A_74 : i32
      %lt3A = vector.broadcast %add3A_75 : i32 to vector<16xi32>
      %lt3A_76 = arith.cmpi slt, %get3A_72, %lt3A : vector<16xi32>
      %and3A = arith.andi %ge3A_73, %lt3A_76 : vector<16xi1>
      %sub3A = vector.broadcast %mul3A_0 : i32 to vector<16xi32>
      %sub3A_77 = arith.subi %get3A_72, %sub3A : vector<16xi32>
      %jit3A = arith.constant 5120 : i32
      %broadcast_in_dim3A = vector.broadcast %jit3A : i32 to vector<16xi32>
      %select_n3A = arith.select %and3A, %sub3A_77, %broadcast_in_dim3A : vector<16xi1>, vector<16xi32>
      %swap3A = arith.constant 0 : index
      %swap3A_78 = tpu.vector_load %arg7[%swap3A] {strides = array<i32>} : memref<192xi32, #tpu.memory_space<vmem>>, vector<16xi32>,
      %swap3A_79 = vector.shape_cast %swap3A_78 : vector<16xi32> to vector<16xi32>
      %swap3A_80 = vector.shape_cast %select_n3A : vector<16xi32> to vector<16xi32>
      tpu.vector_store %arg7[%swap3A], %swap3A_80 {strides = array<i32>} : memref<192xi32, #tpu.memory_space<vmem>>, vector<16xi32>,
      %get3A_81 = arith.constant 16 : index
      %get3A_82 = tpu.vector_load %arg7[%get3A_81] {strides = array<i32>} : memref<192xi32, #tpu.memory_space<vmem>>, vector<16xi32>,
      %get3A_83 = vector.shape_cast %get3A_82 : vector<16xi32> to vector<16xi32>
      %ge3A_84 = vector.broadcast %mul3A_0 : i32 to vector<16xi32>
      %ge3A_85 = arith.cmpi sge, %get3A_83, %ge3A_84 : vector<16xi32>
      %add3A_86 = arith.constant 5120 : i32
      %add3A_87 = arith.addi %mul3A_0, %add3A_86 : i32
      %lt3A_88 = vector.broadcast %add3A_87 : i32 to vector<16xi32>
      %lt3A_89 = arith.cmpi slt, %get3A_83, %lt3A_88 : vector<16xi32>
      %and3A_90 = arith.andi %ge3A_85, %lt3A_89 : vector<16xi1>
      %sub3A_91 = vector.broadcast %mul3A_0 : i32 to vector<16xi32>
      %sub3A_92 = arith.subi %get3A_83, %sub3A_91 : vector<16xi32>
      %jit3A_93 = arith.constant 5120 : i32
      %broadcast_in_dim3A_94 = vector.broadcast %jit3A_93 : i32 to vector<16xi32>
      %select_n3A_95 = arith.select %and3A_90, %sub3A_92, %broadcast_in_dim3A_94 : vector<16xi1>, vector<16xi32>
      %swap3A_96 = arith.constant 16 : index
      %swap3A_97 = tpu.vector_load %arg7[%swap3A_96] {strides = array<i32>} : memref<192xi32, #tpu.memory_space<vmem>>, vector<16xi32>,
      %swap3A_98 = vector.shape_cast %swap3A_97 : vector<16xi32> to vector<16xi32>
      %swap3A_99 = vector.shape_cast %select_n3A_95 : vector<16xi32> to vector<16xi32>
      tpu.vector_store %arg7[%swap3A_96], %swap3A_99 {strides = array<i32>} : memref<192xi32, #tpu.memory_space<vmem>>, vector<16xi32>,
      %get3A_100 = arith.constant 32 : index
      %get3A_101 = tpu.vector_load %arg7[%get3A_100] {strides = array<i32>} : memref<192xi32, #tpu.memory_space<vmem>>, vector<16xi32>,
      %get3A_102 = vector.shape_cast %get3A_101 : vector<16xi32> to vector<16xi32>
      %ge3A_103 = vector.broadcast %mul3A_0 : i32 to vector<16xi32>
      %ge3A_104 = arith.cmpi sge, %get3A_102, %ge3A_103 : vector<16xi32>
      %add3A_105 = arith.constant 5120 : i32
      %add3A_106 = arith.addi %mul3A_0, %add3A_105 : i32
      %lt3A_107 = vector.broadcast %add3A_106 : i32 to vector<16xi32>
      %lt3A_108 = arith.cmpi slt, %get3A_102, %lt3A_107 : vector<16xi32>
      %and3A_109 = arith.andi %ge3A_104, %lt3A_108 : vector<16xi1>
      %sub3A_110 = vector.broadcast %mul3A_0 : i32 to vector<16xi32>
      %sub3A_111 = arith.subi %get3A_102, %sub3A_110 : vector<16xi32>
      %jit3A_112 = arith.constant 5120 : i32
      %broadcast_in_dim3A_113 = vector.broadcast %jit3A_112 : i32 to vector<16xi32>
      %select_n3A_114 = arith.select %and3A_109, %sub3A_111, %broadcast_in_dim3A_113 : vector<16xi1>, vector<16xi32>
      %swap3A_115 = arith.constant 32 : index
      %swap3A_116 = tpu.vector_load %arg7[%swap3A_115] {strides = array<i32>} : memref<192xi32, #tpu.memory_space<vmem>>, vector<16xi32>,
      %swap3A_117 = vector.shape_cast %swap3A_116 : vector<16xi32> to vector<16xi32>
      %swap3A_118 = vector.shape_cast %select_n3A_114 : vector<16xi32> to vector<16xi32>
      tpu.vector_store %arg7[%swap3A_115], %swap3A_118 {strides = array<i32>} : memref<192xi32, #tpu.memory_space<vmem>>, vector<16xi32>,
      %get3A_119 = arith.constant 48 : index
      %get3A_120 = tpu.vector_load %arg7[%get3A_119] {strides = array<i32>} : memref<192xi32, #tpu.memory_space<vmem>>, vector<16xi32>,
      %get3A_121 = vector.shape_cast %get3A_120 : vector<16xi32> to vector<16xi32>
      %ge3A_122 = vector.broadcast %mul3A_0 : i32 to vector<16xi32>
      %ge3A_123 = arith.cmpi sge, %get3A_121, %ge3A_122 : vector<16xi32>
      %add3A_124 = arith.constant 5120 : i32
      %add3A_125 = arith.addi %mul3A_0, %add3A_124 : i32
      %lt3A_126 = vector.broadcast %add3A_125 : i32 to vector<16xi32>
      %lt3A_127 = arith.cmpi slt, %get3A_121, %lt3A_126 : vector<16xi32>
      %and3A_128 = arith.andi %ge3A_123, %lt3A_127 : vector<16xi1>
      %sub3A_129 = vector.broadcast %mul3A_0 : i32 to vector<16xi32>
      %sub3A_130 = arith.subi %get3A_121, %sub3A_129 : vector<16xi32>
      %jit3A_131 = arith.constant 5120 : i32
      %broadcast_in_dim3A_132 = vector.broadcast %jit3A_131 : i32 to vector<16xi32>
      %select_n3A_133 = arith.select %and3A_128, %sub3A_130, %broadcast_in_dim3A_132 : vector<16xi1>, vector<16xi32>
      %swap3A_134 = arith.constant 48 : index
      %swap3A_135 = tpu.vector_load %arg7[%swap3A_134] {strides = array<i32>} : memref<192xi32, #tpu.memory_space<vmem>>, vector<16xi32>,
      %swap3A_136 = vector.shape_cast %swap3A_135 : vector<16xi32> to vector<16xi32>
      %swap3A_137 = vector.shape_cast %select_n3A_133 : vector<16xi32> to vector<16xi32>
      tpu.vector_store %arg7[%swap3A_134], %swap3A_137 {strides = array<i32>} : memref<192xi32, #tpu.memory_space<vmem>>, vector<16xi32>,
      %get3A_138 = arith.constant 64 : index
      %get3A_139 = tpu.vector_load %arg7[%get3A_138] {strides = array<i32>} : memref<192xi32, #tpu.memory_space<vmem>>, vector<16xi32>,
      %get3A_140 = vector.shape_cast %get3A_139 : vector<16xi32> to vector<16xi32>
      %ge3A_141 = vector.broadcast %mul3A_0 : i32 to vector<16xi32>
      %ge3A_142 = arith.cmpi sge, %get3A_140, %ge3A_141 : vector<16xi32>
      %add3A_143 = arith.constant 5120 : i32
      %add3A_144 = arith.addi %mul3A_0, %add3A_143 : i32
      %lt3A_145 = vector.broadcast %add3A_144 : i32 to vector<16xi32>
      %lt3A_146 = arith.cmpi slt, %get3A_140, %lt3A_145 : vector<16xi32>
      %and3A_147 = arith.andi %ge3A_142, %lt3A_146 : vector<16xi1>
      %sub3A_148 = vector.broadcast %mul3A_0 : i32 to vector<16xi32>
      %sub3A_149 = arith.subi %get3A_140, %sub3A_148 : vector<16xi32>
      %jit3A_150 = arith.constant 5120 : i32
      %broadcast_in_dim3A_151 = vector.broadcast %jit3A_150 : i32 to vector<16xi32>
      %select_n3A_152 = arith.select %and3A_147, %sub3A_149, %broadcast_in_dim3A_151 : vector<16xi1>, vector<16xi32>
      %swap3A_153 = arith.constant 64 : index
      %swap3A_154 = tpu.vector_load %arg7[%swap3A_153] {strides = array<i32>} : memref<192xi32, #tpu.memory_space<vmem>>, vector<16xi32>,
      %swap3A_155 = vector.shape_cast %swap3A_154 : vector<16xi32> to vector<16xi32>
      %swap3A_156 = vector.shape_cast %select_n3A_152 : vector<16xi32> to vector<16xi32>
      tpu.vector_store %arg7[%swap3A_153], %swap3A_156 {strides = array<i32>} : memref<192xi32, #tpu.memory_space<vmem>>, vector<16xi32>,
      %get3A_157 = arith.constant 80 : index
      %get3A_158 = tpu.vector_load %arg7[%get3A_157] {strides = array<i32>} : memref<192xi32, #tpu.memory_space<vmem>>, vector<16xi32>,
      %get3A_159 = vector.shape_cast %get3A_158 : vector<16xi32> to vector<16xi32>
      %ge3A_160 = vector.broadcast %mul3A_0 : i32 to vector<16xi32>
      %ge3A_161 = arith.cmpi sge, %get3A_159, %ge3A_160 : vector<16xi32>
      %add3A_162 = arith.constant 5120 : i32
      %add3A_163 = arith.addi %mul3A_0, %add3A_162 : i32
      %lt3A_164 = vector.broadcast %add3A_163 : i32 to vector<16xi32>
      %lt3A_165 = arith.cmpi slt, %get3A_159, %lt3A_164 : vector<16xi32>
      %and3A_166 = arith.andi %ge3A_161, %lt3A_165 : vector<16xi1>
      %sub3A_167 = vector.broadcast %mul3A_0 : i32 to vector<16xi32>
      %sub3A_168 = arith.subi %get3A_159, %sub3A_167 : vector<16xi32>
      %jit3A_169 = arith.constant 5120 : i32
      %broadcast_in_dim3A_170 = vector.broadcast %jit3A_169 : i32 to vector<16xi32>
      %select_n3A_171 = arith.select %and3A_166, %sub3A_168, %broadcast_in_dim3A_170 : vector<16xi1>, vector<16xi32>
      %swap3A_172 = arith.constant 80 : index
      %swap3A_173 = tpu.vector_load %arg7[%swap3A_172] {strides = array<i32>} : memref<192xi32, #tpu.memory_space<vmem>>, vector<16xi32>,
      %swap3A_174 = vector.shape_cast %swap3A_173 : vector<16xi32> to vector<16xi32>
      %swap3A_175 = vector.shape_cast %select_n3A_171 : vector<16xi32> to vector<16xi32>
      tpu.vector_store %arg7[%swap3A_172], %swap3A_175 {strides = array<i32>} : memref<192xi32, #tpu.memory_space<vmem>>, vector<16xi32>,
      %get3A_176 = arith.constant 96 : index
      %get3A_177 = tpu.vector_load %arg7[%get3A_176] {strides = array<i32>} : memref<192xi32, #tpu.memory_space<vmem>>, vector<16xi32>,
      %get3A_178 = vector.shape_cast %get3A_177 : vector<16xi32> to vector<16xi32>
      %ge3A_179 = vector.broadcast %mul3A_0 : i32 to vector<16xi32>
      %ge3A_180 = arith.cmpi sge, %get3A_178, %ge3A_179 : vector<16xi32>
      %add3A_181 = arith.constant 5120 : i32
      %add3A_182 = arith.addi %mul3A_0, %add3A_181 : i32
      %lt3A_183 = vector.broadcast %add3A_182 : i32 to vector<16xi32>
      %lt3A_184 = arith.cmpi slt, %get3A_178, %lt3A_183 : vector<16xi32>
      %and3A_185 = arith.andi %ge3A_180, %lt3A_184 : vector<16xi1>
      %sub3A_186 = vector.broadcast %mul3A_0 : i32 to vector<16xi32>
      %sub3A_187 = arith.subi %get3A_178, %sub3A_186 : vector<16xi32>
      %jit3A_188 = arith.constant 5120 : i32
      %broadcast_in_dim3A_189 = vector.broadcast %jit3A_188 : i32 to vector<16xi32>
      %select_n3A_190 = arith.select %and3A_185, %sub3A_187, %broadcast_in_dim3A_189 : vector<16xi1>, vector<16xi32>
      %swap3A_191 = arith.constant 96 : index
      %swap3A_192 = tpu.vector_load %arg7[%swap3A_191] {strides = array<i32>} : memref<192xi32, #tpu.memory_space<vmem>>, vector<16xi32>,
      %swap3A_193 = vector.shape_cast %swap3A_192 : vector<16xi32> to vector<16xi32>
      %swap3A_194 = vector.shape_cast %select_n3A_190 : vector<16xi32> to vector<16xi32>
      tpu.vector_store %arg7[%swap3A_191], %swap3A_194 {strides = array<i32>} : memref<192xi32, #tpu.memory_space<vmem>>, vector<16xi32>,
      %get3A_195 = arith.constant 112 : index
      %get3A_196 = tpu.vector_load %arg7[%get3A_195] {strides = array<i32>} : memref<192xi32, #tpu.memory_space<vmem>>, vector<16xi32>,
      %get3A_197 = vector.shape_cast %get3A_196 : vector<16xi32> to vector<16xi32>
      %ge3A_198 = vector.broadcast %mul3A_0 : i32 to vector<16xi32>
      %ge3A_199 = arith.cmpi sge, %get3A_197, %ge3A_198 : vector<16xi32>
      %add3A_200 = arith.constant 5120 : i32
      %add3A_201 = arith.addi %mul3A_0, %add3A_200 : i32
      %lt3A_202 = vector.broadcast %add3A_201 : i32 to vector<16xi32>
      %lt3A_203 = arith.cmpi slt, %get3A_197, %lt3A_202 : vector<16xi32>
      %and3A_204 = arith.andi %ge3A_199, %lt3A_203 : vector<16xi1>
      %sub3A_205 = vector.broadcast %mul3A_0 : i32 to vector<16xi32>
      %sub3A_206 = arith.subi %get3A_197, %sub3A_205 : vector<16xi32>
      %jit3A_207 = arith.constant 5120 : i32
      %broadcast_in_dim3A_208 = vector.broadcast %jit3A_207 : i32 to vector<16xi32>
      %select_n3A_209 = arith.select %and3A_204, %sub3A_206, %broadcast_in_dim3A_208 : vector<16xi1>, vector<16xi32>
      %swap3A_210 = arith.constant 112 : index
      %swap3A_211 = tpu.vector_load %arg7[%swap3A_210] {strides = array<i32>} : memref<192xi32, #tpu.memory_space<vmem>>, vector<16xi32>,
      %swap3A_212 = vector.shape_cast %swap3A_211 : vector<16xi32> to vector<16xi32>
      %swap3A_213 = vector.shape_cast %select_n3A_209 : vector<16xi32> to vector<16xi32>
      tpu.vector_store %arg7[%swap3A_210], %swap3A_213 {strides = array<i32>} : memref<192xi32, #tpu.memory_space<vmem>>, vector<16xi32>,
      %get3A_214 = arith.constant 128 : index
      %get3A_215 = tpu.vector_load %arg7[%get3A_214] {strides = array<i32>} : memref<192xi32, #tpu.memory_space<vmem>>, vector<16xi32>,
      %get3A_216 = vector.shape_cast %get3A_215 : vector<16xi32> to vector<16xi32>
      %ge3A_217 = vector.broadcast %mul3A_0 : i32 to vector<16xi32>
      %ge3A_218 = arith.cmpi sge, %get3A_216, %ge3A_217 : vector<16xi32>
      %add3A_219 = arith.constant 5120 : i32
      %add3A_220 = arith.addi %mul3A_0, %add3A_219 : i32
      %lt3A_221 = vector.broadcast %add3A_220 : i32 to vector<16xi32>
      %lt3A_222 = arith.cmpi slt, %get3A_216, %lt3A_221 : vector<16xi32>
      %and3A_223 = arith.andi %ge3A_218, %lt3A_222 : vector<16xi1>
      %sub3A_224 = vector.broadcast %mul3A_0 : i32 to vector<16xi32>
      %sub3A_225 = arith.subi %get3A_216, %sub3A_224 : vector<16xi32>
      %jit3A_226 = arith.constant 5120 : i32
      %broadcast_in_dim3A_227 = vector.broadcast %jit3A_226 : i32 to vector<16xi32>
      %select_n3A_228 = arith.select %and3A_223, %sub3A_225, %broadcast_in_dim3A_227 : vector<16xi1>, vector<16xi32>
      %swap3A_229 = arith.constant 128 : index
      %swap3A_230 = tpu.vector_load %arg7[%swap3A_229] {strides = array<i32>} : memref<192xi32, #tpu.memory_space<vmem>>, vector<16xi32>,
      %swap3A_231 = vector.shape_cast %swap3A_230 : vector<16xi32> to vector<16xi32>
      %swap3A_232 = vector.shape_cast %select_n3A_228 : vector<16xi32> to vector<16xi32>
      tpu.vector_store %arg7[%swap3A_229], %swap3A_232 {strides = array<i32>} : memref<192xi32, #tpu.memory_space<vmem>>, vector<16xi32>,
      %get3A_233 = arith.constant 144 : index
      %get3A_234 = tpu.vector_load %arg7[%get3A_233] {strides = array<i32>} : memref<192xi32, #tpu.memory_space<vmem>>, vector<16xi32>,
      %get3A_235 = vector.shape_cast %get3A_234 : vector<16xi32> to vector<16xi32>
      %ge3A_236 = vector.broadcast %mul3A_0 : i32 to vector<16xi32>
      %ge3A_237 = arith.cmpi sge, %get3A_235, %ge3A_236 : vector<16xi32>
      %add3A_238 = arith.constant 5120 : i32
      %add3A_239 = arith.addi %mul3A_0, %add3A_238 : i32
      %lt3A_240 = vector.broadcast %add3A_239 : i32 to vector<16xi32>
      %lt3A_241 = arith.cmpi slt, %get3A_235, %lt3A_240 : vector<16xi32>
      %and3A_242 = arith.andi %ge3A_237, %lt3A_241 : vector<16xi1>
      %sub3A_243 = vector.broadcast %mul3A_0 : i32 to vector<16xi32>
      %sub3A_244 = arith.subi %get3A_235, %sub3A_243 : vector<16xi32>
      %jit3A_245 = arith.constant 5120 : i32
      %broadcast_in_dim3A_246 = vector.broadcast %jit3A_245 : i32 to vector<16xi32>
      %select_n3A_247 = arith.select %and3A_242, %sub3A_244, %broadcast_in_dim3A_246 : vector<16xi1>, vector<16xi32>
      %swap3A_248 = arith.constant 144 : index
      %swap3A_249 = tpu.vector_load %arg7[%swap3A_248] {strides = array<i32>} : memref<192xi32, #tpu.memory_space<vmem>>, vector<16xi32>,
      %swap3A_250 = vector.shape_cast %swap3A_249 : vector<16xi32> to vector<16xi32>
      %swap3A_251 = vector.shape_cast %select_n3A_247 : vector<16xi32> to vector<16xi32>
      tpu.vector_store %arg7[%swap3A_248], %swap3A_251 {strides = array<i32>} : memref<192xi32, #tpu.memory_space<vmem>>, vector<16xi32>,
      %get3A_252 = arith.constant 160 : index
      %get3A_253 = tpu.vector_load %arg7[%get3A_252] {strides = array<i32>} : memref<192xi32, #tpu.memory_space<vmem>>, vector<16xi32>,
      %get3A_254 = vector.shape_cast %get3A_253 : vector<16xi32> to vector<16xi32>
      %ge3A_255 = vector.broadcast %mul3A_0 : i32 to vector<16xi32>
      %ge3A_256 = arith.cmpi sge, %get3A_254, %ge3A_255 : vector<16xi32>
      %add3A_257 = arith.constant 5120 : i32
      %add3A_258 = arith.addi %mul3A_0, %add3A_257 : i32
      %lt3A_259 = vector.broadcast %add3A_258 : i32 to vector<16xi32>
      %lt3A_260 = arith.cmpi slt, %get3A_254, %lt3A_259 : vector<16xi32>
      %and3A_261 = arith.andi %ge3A_256, %lt3A_260 : vector<16xi1>
      %sub3A_262 = vector.broadcast %mul3A_0 : i32 to vector<16xi32>
      %sub3A_263 = arith.subi %get3A_254, %sub3A_262 : vector<16xi32>
      %jit3A_264 = arith.constant 5120 : i32
      %broadcast_in_dim3A_265 = vector.broadcast %jit3A_264 : i32 to vector<16xi32>
      %select_n3A_266 = arith.select %and3A_261, %sub3A_263, %broadcast_in_dim3A_265 : vector<16xi1>, vector<16xi32>
      %swap3A_267 = arith.constant 160 : index
      %swap3A_268 = tpu.vector_load %arg7[%swap3A_267] {strides = array<i32>} : memref<192xi32, #tpu.memory_space<vmem>>, vector<16xi32>,
      %swap3A_269 = vector.shape_cast %swap3A_268 : vector<16xi32> to vector<16xi32>
      %swap3A_270 = vector.shape_cast %select_n3A_266 : vector<16xi32> to vector<16xi32>
      tpu.vector_store %arg7[%swap3A_267], %swap3A_270 {strides = array<i32>} : memref<192xi32, #tpu.memory_space<vmem>>, vector<16xi32>,
      %get3A_271 = arith.constant 176 : index
      %get3A_272 = tpu.vector_load %arg7[%get3A_271] {strides = array<i32>} : memref<192xi32, #tpu.memory_space<vmem>>, vector<16xi32>,
      %get3A_273 = vector.shape_cast %get3A_272 : vector<16xi32> to vector<16xi32>
      %ge3A_274 = vector.broadcast %mul3A_0 : i32 to vector<16xi32>
      %ge3A_275 = arith.cmpi sge, %get3A_273, %ge3A_274 : vector<16xi32>
      %add3A_276 = arith.constant 5120 : i32
      %add3A_277 = arith.addi %mul3A_0, %add3A_276 : i32
      %lt3A_278 = vector.broadcast %add3A_277 : i32 to vector<16xi32>
      %lt3A_279 = arith.cmpi slt, %get3A_273, %lt3A_278 : vector<16xi32>
      %and3A_280 = arith.andi %ge3A_275, %lt3A_279 : vector<16xi1>
      %sub3A_281 = vector.broadcast %mul3A_0 : i32 to vector<16xi32>
      %sub3A_282 = arith.subi %get3A_273, %sub3A_281 : vector<16xi32>
      %jit3A_283 = arith.constant 5120 : i32
      %broadcast_in_dim3A_284 = vector.broadcast %jit3A_283 : i32 to vector<16xi32>
      %select_n3A_285 = arith.select %and3A_280, %sub3A_282, %broadcast_in_dim3A_284 : vector<16xi1>, vector<16xi32>
      %swap3A_286 = arith.constant 176 : index
      %swap3A_287 = tpu.vector_load %arg7[%swap3A_286] {strides = array<i32>} : memref<192xi32, #tpu.memory_space<vmem>>, vector<16xi32>,
      %swap3A_288 = vector.shape_cast %swap3A_287 : vector<16xi32> to vector<16xi32>
      %swap3A_289 = vector.shape_cast %select_n3A_285 : vector<16xi32> to vector<16xi32>
      tpu.vector_store %arg7[%swap3A_286], %swap3A_289 {strides = array<i32>} : memref<192xi32, #tpu.memory_space<vmem>>, vector<16xi32>,
      %dma_start3A_290 = arith.constant 0 : i32
      %dma_start3A_291 = tpu.memref_slice %arg7[%dma_start3A_290] : memref<192xi32, #tpu.memory_space<vmem>> -> memref<24xi32, #tpu.memory_space<vmem>>
      %dma_start3A_292 = arith.constant 0 : i32
      %dma_start3A_293 = arith.constant 0 : i32
      %dma_start3A_294 = tpu.memref_slice %arg13[%dma_start3A_292, %dma_start3A_293] : memref<5128x128xf32, #tpu.memory_space<vmem_shared>> -> memref<5128x128xf32, #tpu.memory_space<vmem_shared>>
      tpu.enqueue_indirect_dma source(%dma_start3A_294 : memref<5128x128xf32, #tpu.memory_space<vmem_shared>>) target(%arg11 : memref<24x128xf32, #tpu.memory_space<vmem>>) offsets(%dma_start3A_291 : memref<24xi32, #tpu.memory_space<vmem>>) semaphore(%arg15 : memref<!tpu.dma_semaphore, #tpu.memory_space<semaphore_mem>>)
      %dma_start3A_295 = arith.constant 24 : i32
      %dma_start3A_296 = tpu.memref_slice %arg7[%dma_start3A_295] : memref<192xi32, #tpu.memory_space<vmem>> -> memref<24xi32, #tpu.memory_space<vmem>>
      %dma_start3A_297 = arith.constant 0 : i32
      %dma_start3A_298 = arith.constant 0 : i32
      %dma_start3A_299 = tpu.memref_slice %arg13[%dma_start3A_297, %dma_start3A_298] : memref<5128x128xf32, #tpu.memory_space<vmem_shared>> -> memref<5128x128xf32, #tpu.memory_space<vmem_shared>>
      tpu.enqueue_indirect_dma source(%dma_start3A_299 : memref<5128x128xf32, #tpu.memory_space<vmem_shared>>) target(%arg12 : memref<24x128xf32, #tpu.memory_space<vmem>>) offsets(%dma_start3A_296 : memref<24xi32, #tpu.memory_space<vmem>>) semaphore(%arg16 : memref<!tpu.dma_semaphore, #tpu.memory_space<semaphore_mem>>)
      %dma_wait3A_300 = arith.constant 0 : i32
      %dma_wait3A_301 = tpu.memref_slice %arg7[%dma_wait3A_300] : memref<192xi32, #tpu.memory_space<vmem>> -> memref<24xi32, #tpu.memory_space<vmem>>
      %dma_wait3A_302 = arith.constant 0 : i32
      %dma_wait3A_303 = arith.constant 0 : i32
      %dma_wait3A_304 = tpu.memref_slice %arg13[%dma_wait3A_302, %dma_wait3A_303] : memref<5128x128xf32, #tpu.memory_space<vmem_shared>> -> memref<5128x128xf32, #tpu.memory_space<vmem_shared>>
      tpu.wait_indirect_dma semaphore(%arg15 : memref<!tpu.dma_semaphore, #tpu.memory_space<semaphore_mem>>) src(%dma_wait3A_304 : memref<5128x128xf32, #tpu.memory_space<vmem_shared>>) dst(%arg11 : memref<24x128xf32, #tpu.memory_space<vmem>>)
      %run_scoped3A = arith.constant 0 : i32
      "tpu.region"() ({
        %run_scoped3A_726 = tpu.sem_alloc : memref<!tpu.dma_semaphore, #tpu.memory_space<semaphore_mem>>
        %dma_start3A_727 = arith.constant 0 : i32
        %dma_start3A_728 = tpu.memref_slice %arg9[%run_scoped3A, %dma_start3A_727] : memref<8x24xi32, #tpu.memory_space<vmem>> -> memref<1x24xi32, #tpu.memory_space<vmem>>
        %dma_start3A_729 = tpu.memref_squeeze %dma_start3A_728 : memref<1x24xi32, #tpu.memory_space<vmem>> -> memref<24xi32, #tpu.memory_space<vmem>>
        %dma_start3A_730 = arith.constant 0 : i32
        %dma_start3A_731 = arith.constant 0 : i32
        %dma_start3A_732 = tpu.memref_slice %arg14[%dma_start3A_730, %dma_start3A_731] : memref<10112x128xf32, #tpu.memory_space<vmem_shared>> -> memref<10112x128xf32, #tpu.memory_space<vmem_shared>>
        tpu.enqueue_indirect_dma source(%arg11 : memref<24x128xf32, #tpu.memory_space<vmem>>) target(%dma_start3A_732 : memref<10112x128xf32, #tpu.memory_space<vmem_shared>>) offsets(%dma_start3A_729 : memref<24xi32, #tpu.memory_space<vmem>>) semaphore(%run_scoped3A_726 : memref<!tpu.dma_semaphore, #tpu.memory_space<semaphore_mem>>) {add = true}
        %dma_wait3A_733 = arith.constant 0 : i32
        %dma_wait3A_734 = tpu.memref_slice %arg9[%run_scoped3A, %dma_wait3A_733] : memref<8x24xi32, #tpu.memory_space<vmem>> -> memref<1x24xi32, #tpu.memory_space<vmem>>
        %dma_wait3A_735 = tpu.memref_squeeze %dma_wait3A_734 : memref<1x24xi32, #tpu.memory_space<vmem>> -> memref<24xi32, #tpu.memory_space<vmem>>
        %dma_wait3A_736 = arith.constant 0 : i32
        %dma_wait3A_737 = arith.constant 0 : i32
        %dma_wait3A_738 = tpu.memref_slice %arg14[%dma_wait3A_736, %dma_wait3A_737] : memref<10112x128xf32, #tpu.memory_space<vmem_shared>> -> memref<10112x128xf32, #tpu.memory_space<vmem_shared>>
        tpu.wait_indirect_dma semaphore(%run_scoped3A_726 : memref<!tpu.dma_semaphore, #tpu.memory_space<semaphore_mem>>) src(%arg11 : memref<24x128xf32, #tpu.memory_space<vmem>>) dst(%dma_wait3A_738 : memref<10112x128xf32, #tpu.memory_space<vmem_shared>>)
        tpu.yield
      }) : () -> ()
      %dma_start3A_305 = arith.constant 48 : i32
      %dma_start3A_306 = tpu.memref_slice %arg7[%dma_start3A_305] : memref<192xi32, #tpu.memory_space<vmem>> -> memref<24xi32, #tpu.memory_space<vmem>>
      %dma_start3A_307 = arith.constant 0 : i32
      %dma_start3A_308 = arith.constant 0 : i32
      %dma_start3A_309 = tpu.memref_slice %arg13[%dma_start3A_307, %dma_start3A_308] : memref<5128x128xf32, #tpu.memory_space<vmem_shared>> -> memref<5128x128xf32, #tpu.memory_space<vmem_shared>>
      tpu.enqueue_indirect_dma source(%dma_start3A_309 : memref<5128x128xf32, #tpu.memory_space<vmem_shared>>) target(%arg11 : memref<24x128xf32, #tpu.memory_space<vmem>>) offsets(%dma_start3A_306 : memref<24xi32, #tpu.memory_space<vmem>>) semaphore(%arg15 : memref<!tpu.dma_semaphore, #tpu.memory_space<semaphore_mem>>)
      %dma_wait3A_310 = arith.constant 24 : i32
      %dma_wait3A_311 = tpu.memref_slice %arg7[%dma_wait3A_310] : memref<192xi32, #tpu.memory_space<vmem>> -> memref<24xi32, #tpu.memory_space<vmem>>
      %dma_wait3A_312 = arith.constant 0 : i32
      %dma_wait3A_313 = arith.constant 0 : i32
      %dma_wait3A_314 = tpu.memref_slice %arg13[%dma_wait3A_312, %dma_wait3A_313] : memref<5128x128xf32, #tpu.memory_space<vmem_shared>> -> memref<5128x128xf32, #tpu.memory_space<vmem_shared>>
      tpu.wait_indirect_dma semaphore(%arg16 : memref<!tpu.dma_semaphore, #tpu.memory_space<semaphore_mem>>) src(%dma_wait3A_314 : memref<5128x128xf32, #tpu.memory_space<vmem_shared>>) dst(%arg12 : memref<24x128xf32, #tpu.memory_space<vmem>>)
      %run_scoped3A_315 = arith.constant 1 : i32
      "tpu.region"() ({
        %run_scoped3A_726 = tpu.sem_alloc : memref<!tpu.dma_semaphore, #tpu.memory_space<semaphore_mem>>
        %dma_start3A_727 = arith.constant 0 : i32
        %dma_start3A_728 = tpu.memref_slice %arg9[%run_scoped3A_315, %dma_start3A_727] : memref<8x24xi32, #tpu.memory_space<vmem>> -> memref<1x24xi32, #tpu.memory_space<vmem>>
        %dma_start3A_729 = tpu.memref_squeeze %dma_start3A_728 : memref<1x24xi32, #tpu.memory_space<vmem>> -> memref<24xi32, #tpu.memory_space<vmem>>
        %dma_start3A_730 = arith.constant 0 : i32
        %dma_start3A_731 = arith.constant 0 : i32
        %dma_start3A_732 = tpu.memref_slice %arg14[%dma_start3A_730, %dma_start3A_731] : memref<10112x128xf32, #tpu.memory_space<vmem_shared>> -> memref<10112x128xf32, #tpu.memory_space<vmem_shared>>
        tpu.enqueue_indirect_dma source(%arg12 : memref<24x128xf32, #tpu.memory_space<vmem>>) target(%dma_start3A_732 : memref<10112x128xf32, #tpu.memory_space<vmem_shared>>) offsets(%dma_start3A_729 : memref<24xi32, #tpu.memory_space<vmem>>) semaphore(%run_scoped3A_726 : memref<!tpu.dma_semaphore, #tpu.memory_space<semaphore_mem>>) {add = true}
        %dma_wait3A_733 = arith.constant 0 : i32
        %dma_wait3A_734 = tpu.memref_slice %arg9[%run_scoped3A_315, %dma_wait3A_733] : memref<8x24xi32, #tpu.memory_space<vmem>> -> memref<1x24xi32, #tpu.memory_space<vmem>>
        %dma_wait3A_735 = tpu.memref_squeeze %dma_wait3A_734 : memref<1x24xi32, #tpu.memory_space<vmem>> -> memref<24xi32, #tpu.memory_space<vmem>>
        %dma_wait3A_736 = arith.constant 0 : i32
        %dma_wait3A_737 = arith.constant 0 : i32
        %dma_wait3A_738 = tpu.memref_slice %arg14[%dma_wait3A_736, %dma_wait3A_737] : memref<10112x128xf32, #tpu.memory_space<vmem_shared>> -> memref<10112x128xf32, #tpu.memory_space<vmem_shared>>
        tpu.wait_indirect_dma semaphore(%run_scoped3A_726 : memref<!tpu.dma_semaphore, #tpu.memory_space<semaphore_mem>>) src(%arg12 : memref<24x128xf32, #tpu.memory_space<vmem>>) dst(%dma_wait3A_738 : memref<10112x128xf32, #tpu.memory_space<vmem_shared>>)
        tpu.yield
      }) : () -> ()
      %dma_start3A_316 = arith.constant 72 : i32
      %dma_start3A_317 = tpu.memref_slice %arg7[%dma_start3A_316] : memref<192xi32, #tpu.memory_space<vmem>> -> memref<24xi32, #tpu.memory_space<vmem>>
      %dma_start3A_318 = arith.constant 0 : i32
      %dma_start3A_319 = arith.constant 0 : i32
      %dma_start3A_320 = tpu.memref_slice %arg13[%dma_start3A_318, %dma_start3A_319] : memref<5128x128xf32, #tpu.memory_space<vmem_shared>> -> memref<5128x128xf32, #tpu.memory_space<vmem_shared>>
      tpu.enqueue_indirect_dma source(%dma_start3A_320 : memref<5128x128xf32, #tpu.memory_space<vmem_shared>>) target(%arg12 : memref<24x128xf32, #tpu.memory_space<vmem>>) offsets(%dma_start3A_317 : memref<24xi32, #tpu.memory_space<vmem>>) semaphore(%arg16 : memref<!tpu.dma_semaphore, #tpu.memory_space<semaphore_mem>>)
      %dma_wait3A_321 = arith.constant 48 : i32
      %dma_wait3A_322 = tpu.memref_slice %arg7[%dma_wait3A_321] : memref<192xi32, #tpu.memory_space<vmem>> -> memref<24xi32, #tpu.memory_space<vmem>>
      %dma_wait3A_323 = arith.constant 0 : i32
      %dma_wait3A_324 = arith.constant 0 : i32
      %dma_wait3A_325 = tpu.memref_slice %arg13[%dma_wait3A_323, %dma_wait3A_324] : memref<5128x128xf32, #tpu.memory_space<vmem_shared>> -> memref<5128x128xf32, #tpu.memory_space<vmem_shared>>
      tpu.wait_indirect_dma semaphore(%arg15 : memref<!tpu.dma_semaphore, #tpu.memory_space<semaphore_mem>>) src(%dma_wait3A_325 : memref<5128x128xf32, #tpu.memory_space<vmem_shared>>) dst(%arg11 : memref<24x128xf32, #tpu.memory_space<vmem>>)
      %run_scoped3A_326 = arith.constant 2 : i32
      "tpu.region"() ({
        %run_scoped3A_726 = tpu.sem_alloc : memref<!tpu.dma_semaphore, #tpu.memory_space<semaphore_mem>>
        %dma_start3A_727 = arith.constant 0 : i32
        %dma_start3A_728 = tpu.memref_slice %arg9[%run_scoped3A_326, %dma_start3A_727] : memref<8x24xi32, #tpu.memory_space<vmem>> -> memref<1x24xi32, #tpu.memory_space<vmem>>
        %dma_start3A_729 = tpu.memref_squeeze %dma_start3A_728 : memref<1x24xi32, #tpu.memory_space<vmem>> -> memref<24xi32, #tpu.memory_space<vmem>>
        %dma_start3A_730 = arith.constant 0 : i32
        %dma_start3A_731 = arith.constant 0 : i32
        %dma_start3A_732 = tpu.memref_slice %arg14[%dma_start3A_730, %dma_start3A_731] : memref<10112x128xf32, #tpu.memory_space<vmem_shared>> -> memref<10112x128xf32, #tpu.memory_space<vmem_shared>>
        tpu.enqueue_indirect_dma source(%arg11 : memref<24x128xf32, #tpu.memory_space<vmem>>) target(%dma_start3A_732 : memref<10112x128xf32, #tpu.memory_space<vmem_shared>>) offsets(%dma_start3A_729 : memref<24xi32, #tpu.memory_space<vmem>>) semaphore(%run_scoped3A_726 : memref<!tpu.dma_semaphore, #tpu.memory_space<semaphore_mem>>) {add = true}
        %dma_wait3A_733 = arith.constant 0 : i32
        %dma_wait3A_734 = tpu.memref_slice %arg9[%run_scoped3A_326, %dma_wait3A_733] : memref<8x24xi32, #tpu.memory_space<vmem>> -> memref<1x24xi32, #tpu.memory_space<vmem>>
        %dma_wait3A_735 = tpu.memref_squeeze %dma_wait3A_734 : memref<1x24xi32, #tpu.memory_space<vmem>> -> memref<24xi32, #tpu.memory_space<vmem>>
        %dma_wait3A_736 = arith.constant 0 : i32
        %dma_wait3A_737 = arith.constant 0 : i32
        %dma_wait3A_738 = tpu.memref_slice %arg14[%dma_wait3A_736, %dma_wait3A_737] : memref<10112x128xf32, #tpu.memory_space<vmem_shared>> -> memref<10112x128xf32, #tpu.memory_space<vmem_shared>>
        tpu.wait_indirect_dma semaphore(%run_scoped3A_726 : memref<!tpu.dma_semaphore, #tpu.memory_space<semaphore_mem>>) src(%arg11 : memref<24x128xf32, #tpu.memory_space<vmem>>) dst(%dma_wait3A_738 : memref<10112x128xf32, #tpu.memory_space<vmem_shared>>)
        tpu.yield
      }) : () -> ()
      %dma_start3A_327 = arith.constant 96 : i32
      %dma_start3A_328 = tpu.memref_slice %arg7[%dma_start3A_327] : memref<192xi32, #tpu.memory_space<vmem>> -> memref<24xi32, #tpu.memory_space<vmem>>
      %dma_start3A_329 = arith.constant 0 : i32
      %dma_start3A_330 = arith.constant 0 : i32
      %dma_start3A_331 = tpu.memref_slice %arg13[%dma_start3A_329, %dma_start3A_330] : memref<5128x128xf32, #tpu.memory_space<vmem_shared>> -> memref<5128x128xf32, #tpu.memory_space<vmem_shared>>
      tpu.enqueue_indirect_dma source(%dma_start3A_331 : memref<5128x128xf32, #tpu.memory_space<vmem_shared>>) target(%arg11 : memref<24x128xf32, #tpu.memory_space<vmem>>) offsets(%dma_start3A_328 : memref<24xi32, #tpu.memory_space<vmem>>) semaphore(%arg15 : memref<!tpu.dma_semaphore, #tpu.memory_space<semaphore_mem>>)
      %dma_wait3A_332 = arith.constant 72 : i32
      %dma_wait3A_333 = tpu.memref_slice %arg7[%dma_wait3A_332] : memref<192xi32, #tpu.memory_space<vmem>> -> memref<24xi32, #tpu.memory_space<vmem>>
      %dma_wait3A_334 = arith.constant 0 : i32
      %dma_wait3A_335 = arith.constant 0 : i32
      %dma_wait3A_336 = tpu.memref_slice %arg13[%dma_wait3A_334, %dma_wait3A_335] : memref<5128x128xf32, #tpu.memory_space<vmem_shared>> -> memref<5128x128xf32, #tpu.memory_space<vmem_shared>>
      tpu.wait_indirect_dma semaphore(%arg16 : memref<!tpu.dma_semaphore, #tpu.memory_space<semaphore_mem>>) src(%dma_wait3A_336 : memref<5128x128xf32, #tpu.memory_space<vmem_shared>>) dst(%arg12 : memref<24x128xf32, #tpu.memory_space<vmem>>)
      %run_scoped3A_337 = arith.constant 3 : i32
      "tpu.region"() ({
        %run_scoped3A_726 = tpu.sem_alloc : memref<!tpu.dma_semaphore, #tpu.memory_space<semaphore_mem>>
        %dma_start3A_727 = arith.constant 0 : i32
        %dma_start3A_728 = tpu.memref_slice %arg9[%run_scoped3A_337, %dma_start3A_727] : memref<8x24xi32, #tpu.memory_space<vmem>> -> memref<1x24xi32, #tpu.memory_space<vmem>>
        %dma_start3A_729 = tpu.memref_squeeze %dma_start3A_728 : memref<1x24xi32, #tpu.memory_space<vmem>> -> memref<24xi32, #tpu.memory_space<vmem>>
        %dma_start3A_730 = arith.constant 0 : i32
        %dma_start3A_731 = arith.constant 0 : i32
        %dma_start3A_732 = tpu.memref_slice %arg14[%dma_start3A_730, %dma_start3A_731] : memref<10112x128xf32, #tpu.memory_space<vmem_shared>> -> memref<10112x128xf32, #tpu.memory_space<vmem_shared>>
        tpu.enqueue_indirect_dma source(%arg12 : memref<24x128xf32, #tpu.memory_space<vmem>>) target(%dma_start3A_732 : memref<10112x128xf32, #tpu.memory_space<vmem_shared>>) offsets(%dma_start3A_729 : memref<24xi32, #tpu.memory_space<vmem>>) semaphore(%run_scoped3A_726 : memref<!tpu.dma_semaphore, #tpu.memory_space<semaphore_mem>>) {add = true}
        %dma_wait3A_733 = arith.constant 0 : i32
        %dma_wait3A_734 = tpu.memref_slice %arg9[%run_scoped3A_337, %dma_wait3A_733] : memref<8x24xi32, #tpu.memory_space<vmem>> -> memref<1x24xi32, #tpu.memory_space<vmem>>
        %dma_wait3A_735 = tpu.memref_squeeze %dma_wait3A_734 : memref<1x24xi32, #tpu.memory_space<vmem>> -> memref<24xi32, #tpu.memory_space<vmem>>
        %dma_wait3A_736 = arith.constant 0 : i32
        %dma_wait3A_737 = arith.constant 0 : i32
        %dma_wait3A_738 = tpu.memref_slice %arg14[%dma_wait3A_736, %dma_wait3A_737] : memref<10112x128xf32, #tpu.memory_space<vmem_shared>> -> memref<10112x128xf32, #tpu.memory_space<vmem_shared>>
        tpu.wait_indirect_dma semaphore(%run_scoped3A_726 : memref<!tpu.dma_semaphore, #tpu.memory_space<semaphore_mem>>) src(%arg12 : memref<24x128xf32, #tpu.memory_space<vmem>>) dst(%dma_wait3A_738 : memref<10112x128xf32, #tpu.memory_space<vmem_shared>>)
        tpu.yield
      }) : () -> ()
      %dma_start3A_338 = arith.constant 120 : i32
      %dma_start3A_339 = tpu.memref_slice %arg7[%dma_start3A_338] : memref<192xi32, #tpu.memory_space<vmem>> -> memref<24xi32, #tpu.memory_space<vmem>>
      %dma_start3A_340 = arith.constant 0 : i32
      %dma_start3A_341 = arith.constant 0 : i32
      %dma_start3A_342 = tpu.memref_slice %arg13[%dma_start3A_340, %dma_start3A_341] : memref<5128x128xf32, #tpu.memory_space<vmem_shared>> -> memref<5128x128xf32, #tpu.memory_space<vmem_shared>>
      tpu.enqueue_indirect_dma source(%dma_start3A_342 : memref<5128x128xf32, #tpu.memory_space<vmem_shared>>) target(%arg12 : memref<24x128xf32, #tpu.memory_space<vmem>>) offsets(%dma_start3A_339 : memref<24xi32, #tpu.memory_space<vmem>>) semaphore(%arg16 : memref<!tpu.dma_semaphore, #tpu.memory_space<semaphore_mem>>)
      %dma_wait3A_343 = arith.constant 96 : i32
      %dma_wait3A_344 = tpu.memref_slice %arg7[%dma_wait3A_343] : memref<192xi32, #tpu.memory_space<vmem>> -> memref<24xi32, #tpu.memory_space<vmem>>
      %dma_wait3A_345 = arith.constant 0 : i32
      %dma_wait3A_346 = arith.constant 0 : i32
      %dma_wait3A_347 = tpu.memref_slice %arg13[%dma_wait3A_345, %dma_wait3A_346] : memref<5128x128xf32, #tpu.memory_space<vmem_shared>> -> memref<5128x128xf32, #tpu.memory_space<vmem_shared>>
      tpu.wait_indirect_dma semaphore(%arg15 : memref<!tpu.dma_semaphore, #tpu.memory_space<semaphore_mem>>) src(%dma_wait3A_347 : memref<5128x128xf32, #tpu.memory_space<vmem_shared>>) dst(%arg11 : memref<24x128xf32, #tpu.memory_space<vmem>>)
      %run_scoped3A_348 = arith.constant 4 : i32
      "tpu.region"() ({
        %run_scoped3A_726 = tpu.sem_alloc : memref<!tpu.dma_semaphore, #tpu.memory_space<semaphore_mem>>
        %dma_start3A_727 = arith.constant 0 : i32
        %dma_start3A_728 = tpu.memref_slice %arg9[%run_scoped3A_348, %dma_start3A_727] : memref<8x24xi32, #tpu.memory_space<vmem>> -> memref<1x24xi32, #tpu.memory_space<vmem>>
        %dma_start3A_729 = tpu.memref_squeeze %dma_start3A_728 : memref<1x24xi32, #tpu.memory_space<vmem>> -> memref<24xi32, #tpu.memory_space<vmem>>
        %dma_start3A_730 = arith.constant 0 : i32
        %dma_start3A_731 = arith.constant 0 : i32
        %dma_start3A_732 = tpu.memref_slice %arg14[%dma_start3A_730, %dma_start3A_731] : memref<10112x128xf32, #tpu.memory_space<vmem_shared>> -> memref<10112x128xf32, #tpu.memory_space<vmem_shared>>
        tpu.enqueue_indirect_dma source(%arg11 : memref<24x128xf32, #tpu.memory_space<vmem>>) target(%dma_start3A_732 : memref<10112x128xf32, #tpu.memory_space<vmem_shared>>) offsets(%dma_start3A_729 : memref<24xi32, #tpu.memory_space<vmem>>) semaphore(%run_scoped3A_726 : memref<!tpu.dma_semaphore, #tpu.memory_space<semaphore_mem>>) {add = true}
        %dma_wait3A_733 = arith.constant 0 : i32
        %dma_wait3A_734 = tpu.memref_slice %arg9[%run_scoped3A_348, %dma_wait3A_733] : memref<8x24xi32, #tpu.memory_space<vmem>> -> memref<1x24xi32, #tpu.memory_space<vmem>>
        %dma_wait3A_735 = tpu.memref_squeeze %dma_wait3A_734 : memref<1x24xi32, #tpu.memory_space<vmem>> -> memref<24xi32, #tpu.memory_space<vmem>>
        %dma_wait3A_736 = arith.constant 0 : i32
        %dma_wait3A_737 = arith.constant 0 : i32
        %dma_wait3A_738 = tpu.memref_slice %arg14[%dma_wait3A_736, %dma_wait3A_737] : memref<10112x128xf32, #tpu.memory_space<vmem_shared>> -> memref<10112x128xf32, #tpu.memory_space<vmem_shared>>
        tpu.wait_indirect_dma semaphore(%run_scoped3A_726 : memref<!tpu.dma_semaphore, #tpu.memory_space<semaphore_mem>>) src(%arg11 : memref<24x128xf32, #tpu.memory_space<vmem>>) dst(%dma_wait3A_738 : memref<10112x128xf32, #tpu.memory_space<vmem_shared>>)
        tpu.yield
      }) : () -> ()
      %dma_start3A_349 = arith.constant 144 : i32
      %dma_start3A_350 = tpu.memref_slice %arg7[%dma_start3A_349] : memref<192xi32, #tpu.memory_space<vmem>> -> memref<24xi32, #tpu.memory_space<vmem>>
      %dma_start3A_351 = arith.constant 0 : i32
      %dma_start3A_352 = arith.constant 0 : i32
      %dma_start3A_353 = tpu.memref_slice %arg13[%dma_start3A_351, %dma_start3A_352] : memref<5128x128xf32, #tpu.memory_space<vmem_shared>> -> memref<5128x128xf32, #tpu.memory_space<vmem_shared>>
      tpu.enqueue_indirect_dma source(%dma_start3A_353 : memref<5128x128xf32, #tpu.memory_space<vmem_shared>>) target(%arg11 : memref<24x128xf32, #tpu.memory_space<vmem>>) offsets(%dma_start3A_350 : memref<24xi32, #tpu.memory_space<vmem>>) semaphore(%arg15 : memref<!tpu.dma_semaphore, #tpu.memory_space<semaphore_mem>>)
      %dma_wait3A_354 = arith.constant 120 : i32
      %dma_wait3A_355 = tpu.memref_slice %arg7[%dma_wait3A_354] : memref<192xi32, #tpu.memory_space<vmem>> -> memref<24xi32, #tpu.memory_space<vmem>>
      %dma_wait3A_356 = arith.constant 0 : i32
      %dma_wait3A_357 = arith.constant 0 : i32
      %dma_wait3A_358 = tpu.memref_slice %arg13[%dma_wait3A_356, %dma_wait3A_357] : memref<5128x128xf32, #tpu.memory_space<vmem_shared>> -> memref<5128x128xf32, #tpu.memory_space<vmem_shared>>
      tpu.wait_indirect_dma semaphore(%arg16 : memref<!tpu.dma_semaphore, #tpu.memory_space<semaphore_mem>>) src(%dma_wait3A_358 : memref<5128x128xf32, #tpu.memory_space<vmem_shared>>) dst(%arg12 : memref<24x128xf32, #tpu.memory_space<vmem>>)
      %run_scoped3A_359 = arith.constant 5 : i32
      "tpu.region"() ({
        %run_scoped3A_726 = tpu.sem_alloc : memref<!tpu.dma_semaphore, #tpu.memory_space<semaphore_mem>>
        %dma_start3A_727 = arith.constant 0 : i32
        %dma_start3A_728 = tpu.memref_slice %arg9[%run_scoped3A_359, %dma_start3A_727] : memref<8x24xi32, #tpu.memory_space<vmem>> -> memref<1x24xi32, #tpu.memory_space<vmem>>
        %dma_start3A_729 = tpu.memref_squeeze %dma_start3A_728 : memref<1x24xi32, #tpu.memory_space<vmem>> -> memref<24xi32, #tpu.memory_space<vmem>>
        %dma_start3A_730 = arith.constant 0 : i32
        %dma_start3A_731 = arith.constant 0 : i32
        %dma_start3A_732 = tpu.memref_slice %arg14[%dma_start3A_730, %dma_start3A_731] : memref<10112x128xf32, #tpu.memory_space<vmem_shared>> -> memref<10112x128xf32, #tpu.memory_space<vmem_shared>>
        tpu.enqueue_indirect_dma source(%arg12 : memref<24x128xf32, #tpu.memory_space<vmem>>) target(%dma_start3A_732 : memref<10112x128xf32, #tpu.memory_space<vmem_shared>>) offsets(%dma_start3A_729 : memref<24xi32, #tpu.memory_space<vmem>>) semaphore(%run_scoped3A_726 : memref<!tpu.dma_semaphore, #tpu.memory_space<semaphore_mem>>) {add = true}
        %dma_wait3A_733 = arith.constant 0 : i32
        %dma_wait3A_734 = tpu.memref_slice %arg9[%run_scoped3A_359, %dma_wait3A_733] : memref<8x24xi32, #tpu.memory_space<vmem>> -> memref<1x24xi32, #tpu.memory_space<vmem>>
        %dma_wait3A_735 = tpu.memref_squeeze %dma_wait3A_734 : memref<1x24xi32, #tpu.memory_space<vmem>> -> memref<24xi32, #tpu.memory_space<vmem>>
        %dma_wait3A_736 = arith.constant 0 : i32
        %dma_wait3A_737 = arith.constant 0 : i32
        %dma_wait3A_738 = tpu.memref_slice %arg14[%dma_wait3A_736, %dma_wait3A_737] : memref<10112x128xf32, #tpu.memory_space<vmem_shared>> -> memref<10112x128xf32, #tpu.memory_space<vmem_shared>>
        tpu.wait_indirect_dma semaphore(%run_scoped3A_726 : memref<!tpu.dma_semaphore, #tpu.memory_space<semaphore_mem>>) src(%arg12 : memref<24x128xf32, #tpu.memory_space<vmem>>) dst(%dma_wait3A_738 : memref<10112x128xf32, #tpu.memory_space<vmem_shared>>)
        tpu.yield
      }) : () -> ()
      %dma_start3A_360 = arith.constant 168 : i32
      %dma_start3A_361 = tpu.memref_slice %arg7[%dma_start3A_360] : memref<192xi32, #tpu.memory_space<vmem>> -> memref<24xi32, #tpu.memory_space<vmem>>
      %dma_start3A_362 = arith.constant 0 : i32
      %dma_start3A_363 = arith.constant 0 : i32
      %dma_start3A_364 = tpu.memref_slice %arg13[%dma_start3A_362, %dma_start3A_363] : memref<5128x128xf32, #tpu.memory_space<vmem_shared>> -> memref<5128x128xf32, #tpu.memory_space<vmem_shared>>
      tpu.enqueue_indirect_dma source(%dma_start3A_364 : memref<5128x128xf32, #tpu.memory_space<vmem_shared>>) target(%arg12 : memref<24x128xf32, #tpu.memory_space<vmem>>) offsets(%dma_start3A_361 : memref<24xi32, #tpu.memory_space<vmem>>) semaphore(%arg16 : memref<!tpu.dma_semaphore, #tpu.memory_space<semaphore_mem>>)
      %dma_wait3A_365 = arith.constant 144 : i32
      %dma_wait3A_366 = tpu.memref_slice %arg7[%dma_wait3A_365] : memref<192xi32, #tpu.memory_space<vmem>> -> memref<24xi32, #tpu.memory_space<vmem>>
      %dma_wait3A_367 = arith.constant 0 : i32
      %dma_wait3A_368 = arith.constant 0 : i32
      %dma_wait3A_369 = tpu.memref_slice %arg13[%dma_wait3A_367, %dma_wait3A_368] : memref<5128x128xf32, #tpu.memory_space<vmem_shared>> -> memref<5128x128xf32, #tpu.memory_space<vmem_shared>>
      tpu.wait_indirect_dma semaphore(%arg15 : memref<!tpu.dma_semaphore, #tpu.memory_space<semaphore_mem>>) src(%dma_wait3A_369 : memref<5128x128xf32, #tpu.memory_space<vmem_shared>>) dst(%arg11 : memref<24x128xf32, #tpu.memory_space<vmem>>)
      %run_scoped3A_370 = arith.constant 6 : i32
      "tpu.region"() ({
        %run_scoped3A_726 = tpu.sem_alloc : memref<!tpu.dma_semaphore, #tpu.memory_space<semaphore_mem>>
        %dma_start3A_727 = arith.constant 0 : i32
        %dma_start3A_728 = tpu.memref_slice %arg9[%run_scoped3A_370, %dma_start3A_727] : memref<8x24xi32, #tpu.memory_space<vmem>> -> memref<1x24xi32, #tpu.memory_space<vmem>>
        %dma_start3A_729 = tpu.memref_squeeze %dma_start3A_728 : memref<1x24xi32, #tpu.memory_space<vmem>> -> memref<24xi32, #tpu.memory_space<vmem>>
        %dma_start3A_730 = arith.constant 0 : i32
        %dma_start3A_731 = arith.constant 0 : i32
        %dma_start3A_732 = tpu.memref_slice %arg14[%dma_start3A_730, %dma_start3A_731] : memref<10112x128xf32, #tpu.memory_space<vmem_shared>> -> memref<10112x128xf32, #tpu.memory_space<vmem_shared>>
        tpu.enqueue_indirect_dma source(%arg11 : memref<24x128xf32, #tpu.memory_space<vmem>>) target(%dma_start3A_732 : memref<10112x128xf32, #tpu.memory_space<vmem_shared>>) offsets(%dma_start3A_729 : memref<24xi32, #tpu.memory_space<vmem>>) semaphore(%run_scoped3A_726 : memref<!tpu.dma_semaphore, #tpu.memory_space<semaphore_mem>>) {add = true}
        %dma_wait3A_733 = arith.constant 0 : i32
        %dma_wait3A_734 = tpu.memref_slice %arg9[%run_scoped3A_370, %dma_wait3A_733] : memref<8x24xi32, #tpu.memory_space<vmem>> -> memref<1x24xi32, #tpu.memory_space<vmem>>
        %dma_wait3A_735 = tpu.memref_squeeze %dma_wait3A_734 : memref<1x24xi32, #tpu.memory_space<vmem>> -> memref<24xi32, #tpu.memory_space<vmem>>
        %dma_wait3A_736 = arith.constant 0 : i32
        %dma_wait3A_737 = arith.constant 0 : i32
        %dma_wait3A_738 = tpu.memref_slice %arg14[%dma_wait3A_736, %dma_wait3A_737] : memref<10112x128xf32, #tpu.memory_space<vmem_shared>> -> memref<10112x128xf32, #tpu.memory_space<vmem_shared>>
        tpu.wait_indirect_dma semaphore(%run_scoped3A_726 : memref<!tpu.dma_semaphore, #tpu.memory_space<semaphore_mem>>) src(%arg11 : memref<24x128xf32, #tpu.memory_space<vmem>>) dst(%dma_wait3A_738 : memref<10112x128xf32, #tpu.memory_space<vmem_shared>>)
        tpu.yield
      }) : () -> ()
      %dma_wait3A_371 = arith.constant 168 : i32
      %dma_wait3A_372 = tpu.memref_slice %arg7[%dma_wait3A_371] : memref<192xi32, #tpu.memory_space<vmem>> -> memref<24xi32, #tpu.memory_space<vmem>>
      %dma_wait3A_373 = arith.constant 0 : i32
      %dma_wait3A_374 = arith.constant 0 : i32
      %dma_wait3A_375 = tpu.memref_slice %arg13[%dma_wait3A_373, %dma_wait3A_374] : memref<5128x128xf32, #tpu.memory_space<vmem_shared>> -> memref<5128x128xf32, #tpu.memory_space<vmem_shared>>
      tpu.wait_indirect_dma semaphore(%arg16 : memref<!tpu.dma_semaphore, #tpu.memory_space<semaphore_mem>>) src(%dma_wait3A_375 : memref<5128x128xf32, #tpu.memory_space<vmem_shared>>) dst(%arg12 : memref<24x128xf32, #tpu.memory_space<vmem>>)
      %run_scoped3A_376 = arith.constant 7 : i32
      "tpu.region"() ({
        %run_scoped3A_726 = tpu.sem_alloc : memref<!tpu.dma_semaphore, #tpu.memory_space<semaphore_mem>>
        %dma_start3A_727 = arith.constant 0 : i32
        %dma_start3A_728 = tpu.memref_slice %arg9[%run_scoped3A_376, %dma_start3A_727] : memref<8x24xi32, #tpu.memory_space<vmem>> -> memref<1x24xi32, #tpu.memory_space<vmem>>
        %dma_start3A_729 = tpu.memref_squeeze %dma_start3A_728 : memref<1x24xi32, #tpu.memory_space<vmem>> -> memref<24xi32, #tpu.memory_space<vmem>>
        %dma_start3A_730 = arith.constant 0 : i32
        %dma_start3A_731 = arith.constant 0 : i32
        %dma_start3A_732 = tpu.memref_slice %arg14[%dma_start3A_730, %dma_start3A_731] : memref<10112x128xf32, #tpu.memory_space<vmem_shared>> -> memref<10112x128xf32, #tpu.memory_space<vmem_shared>>
        tpu.enqueue_indirect_dma source(%arg12 : memref<24x128xf32, #tpu.memory_space<vmem>>) target(%dma_start3A_732 : memref<10112x128xf32, #tpu.memory_space<vmem_shared>>) offsets(%dma_start3A_729 : memref<24xi32, #tpu.memory_space<vmem>>) semaphore(%run_scoped3A_726 : memref<!tpu.dma_semaphore, #tpu.memory_space<semaphore_mem>>) {add = true}
        %dma_wait3A_733 = arith.constant 0 : i32
        %dma_wait3A_734 = tpu.memref_slice %arg9[%run_scoped3A_376, %dma_wait3A_733] : memref<8x24xi32, #tpu.memory_space<vmem>> -> memref<1x24xi32, #tpu.memory_space<vmem>>
        %dma_wait3A_735 = tpu.memref_squeeze %dma_wait3A_734 : memref<1x24xi32, #tpu.memory_space<vmem>> -> memref<24xi32, #tpu.memory_space<vmem>>
        %dma_wait3A_736 = arith.constant 0 : i32
        %dma_wait3A_737 = arith.constant 0 : i32
        %dma_wait3A_738 = tpu.memref_slice %arg14[%dma_wait3A_736, %dma_wait3A_737] : memref<10112x128xf32, #tpu.memory_space<vmem_shared>> -> memref<10112x128xf32, #tpu.memory_space<vmem_shared>>
        tpu.wait_indirect_dma semaphore(%run_scoped3A_726 : memref<!tpu.dma_semaphore, #tpu.memory_space<semaphore_mem>>) src(%arg12 : memref<24x128xf32, #tpu.memory_space<vmem>>) dst(%dma_wait3A_738 : memref<10112x128xf32, #tpu.memory_space<vmem_shared>>)
        tpu.yield
      }) : () -> ()
      %add3A_377 = arith.constant 2 : i32
      %add3A_378 = arith.addi %add3A_56, %add3A_377 : i32
      %lt3A_379 = arith.constant 108 : i32
      %lt3A_380 = arith.cmpi slt, %add3A_378, %lt3A_379 : i32
      %convert_element_type3A_381 = arith.extui %lt3A_380 : i1 to i32
      %cond3A_382 = arith.constant 0 : i32
      %cond3A_383 = arith.cmpi ne, %convert_element_type3A_381, %cond3A_382 : i32
      scf.if %cond3A_383 {
        %add3A_726 = arith.constant 2 : i32
        %add3A_727 = arith.addi %add3A_56, %add3A_726 : i32
        %dma_start3A_728 = arith.constant 0 : i32
        %dma_start3A_729 = arith.constant 0 : i32
        %dma_start3A_730 = tpu.memref_slice %arg3[%arg1, %add3A_727, %dma_start3A_728, %dma_start3A_729] : memref<16x108x1x192xi32, #tpu.memory_space<hbm>> -> memref<1x1x1x192xi32, #tpu.memory_space<hbm>>
        %dma_start3A_731 = tpu.memref_squeeze %dma_start3A_730 : memref<1x1x1x192xi32, #tpu.memory_space<hbm>> -> memref<192xi32, #tpu.memory_space<hbm>>
        %dma_start3A_732 = arith.constant 0 : i32
        %dma_start3A_733 = tpu.memref_slice %arg3[%arg1, %add3A_727, %dma_start3A_728, %dma_start3A_732] : memref<16x108x1x192xi32, #tpu.memory_space<hbm>> -> memref<1x1x1x192xi32, #tpu.memory_space<hbm>>
        %dma_start3A_734 = tpu.memref_squeeze %dma_start3A_733 : memref<1x1x1x192xi32, #tpu.memory_space<hbm>> -> memref<192xi32, #tpu.memory_space<hbm>>
        tpu.enqueue_dma source(%dma_start3A_734 : memref<192xi32, #tpu.memory_space<hbm>>) target(%arg7 : memref<192xi32, #tpu.memory_space<vmem>>) target_semaphore(%arg17 : memref<!tpu.dma_semaphore, #tpu.memory_space<semaphore_mem>>)
        %dma_start3A_735 = arith.constant 0 : i32
        %dma_start3A_736 = arith.constant 0 : i32
        %dma_start3A_737 = tpu.memref_slice %arg4[%arg1, %add3A_727, %dma_start3A_735, %dma_start3A_736] : memref<16x108x8x24xi32, #tpu.memory_space<hbm>> -> memref<1x1x8x24xi32, #tpu.memory_space<hbm>>
        %dma_start3A_738 = tpu.memref_squeeze %dma_start3A_737 : memref<1x1x8x24xi32, #tpu.memory_space<hbm>> -> memref<8x24xi32, #tpu.memory_space<hbm>>
        %dma_start3A_739 = arith.constant 0 : i32
        %dma_start3A_740 = arith.constant 0 : i32
        %dma_start3A_741 = tpu.memref_slice %arg4[%arg1, %add3A_727, %dma_start3A_739, %dma_start3A_740] : memref<16x108x8x24xi32, #tpu.memory_space<hbm>> -> memref<1x1x8x24xi32, #tpu.memory_space<hbm>>
        %dma_start3A_742 = tpu.memref_squeeze %dma_start3A_741 : memref<1x1x8x24xi32, #tpu.memory_space<hbm>> -> memref<8x24xi32, #tpu.memory_space<hbm>>
        tpu.enqueue_dma source(%dma_start3A_742 : memref<8x24xi32, #tpu.memory_space<hbm>>) target(%arg9 : memref<8x24xi32, #tpu.memory_space<vmem>>) target_semaphore(%arg19 : memref<!tpu.dma_semaphore, #tpu.memory_space<semaphore_mem>>)
      } else {
      }
      %mul3A_384 = arith.constant 2 : i32
      %mul3A_385 = arith.muli %mul3A_384, %scan3A_52 : i32
      %add3A_386 = arith.constant 1 : i32
      %add3A_387 = arith.addi %mul3A_385, %add3A_386 : i32
      %dma_wait3A_388 = arith.constant 0 : i32
      %dma_wait3A_389 = arith.constant 0 : i32
      %dma_wait3A_390 = tpu.memref_slice %arg3[%arg1, %add3A_387, %dma_wait3A_388, %dma_wait3A_389] : memref<16x108x1x192xi32, #tpu.memory_space<hbm>> -> memref<1x1x1x192xi32, #tpu.memory_space<hbm>>
      %dma_wait3A_391 = tpu.memref_squeeze %dma_wait3A_390 : memref<1x1x1x192xi32, #tpu.memory_space<hbm>> -> memref<192xi32, #tpu.memory_space<hbm>>
      %dma_wait3A_392 = arith.constant 0 : i32
      %dma_wait3A_393 = tpu.memref_slice %arg3[%arg1, %add3A_387, %dma_wait3A_388, %dma_wait3A_392] : memref<16x108x1x192xi32, #tpu.memory_space<hbm>> -> memref<1x1x1x192xi32, #tpu.memory_space<hbm>>
      %dma_wait3A_394 = tpu.memref_squeeze %dma_wait3A_393 : memref<1x1x1x192xi32, #tpu.memory_space<hbm>> -> memref<192xi32, #tpu.memory_space<hbm>>
      tpu.wait_dma2 semaphore(%arg18 : memref<!tpu.dma_semaphore, #tpu.memory_space<semaphore_mem>>) src(%dma_wait3A_394 : memref<192xi32, #tpu.memory_space<hbm>>) dst(%arg8 : memref<192xi32, #tpu.memory_space<vmem>>)
      %dma_wait3A_395 = arith.constant 0 : i32
      %dma_wait3A_396 = arith.constant 0 : i32
      %dma_wait3A_397 = tpu.memref_slice %arg4[%arg1, %add3A_387, %dma_wait3A_395, %dma_wait3A_396] : memref<16x108x8x24xi32, #tpu.memory_space<hbm>> -> memref<1x1x8x24xi32, #tpu.memory_space<hbm>>
      %dma_wait3A_398 = tpu.memref_squeeze %dma_wait3A_397 : memref<1x1x8x24xi32, #tpu.memory_space<hbm>> -> memref<8x24xi32, #tpu.memory_space<hbm>>
      %dma_wait3A_399 = arith.constant 0 : i32
      %dma_wait3A_400 = arith.constant 0 : i32
      %dma_wait3A_401 = tpu.memref_slice %arg4[%arg1, %add3A_387, %dma_wait3A_399, %dma_wait3A_400] : memref<16x108x8x24xi32, #tpu.memory_space<hbm>> -> memref<1x1x8x24xi32, #tpu.memory_space<hbm>>
      %dma_wait3A_402 = tpu.memref_squeeze %dma_wait3A_401 : memref<1x1x8x24xi32, #tpu.memory_space<hbm>> -> memref<8x24xi32, #tpu.memory_space<hbm>>
      tpu.wait_dma2 semaphore(%arg20 : memref<!tpu.dma_semaphore, #tpu.memory_space<semaphore_mem>>) src(%dma_wait3A_402 : memref<8x24xi32, #tpu.memory_space<hbm>>) dst(%arg10 : memref<8x24xi32, #tpu.memory_space<vmem>>)
      %get3A_403 = arith.constant 0 : index
      %get3A_404 = tpu.vector_load %arg8[%get3A_403] {strides = array<i32>} : memref<192xi32, #tpu.memory_space<vmem>>, vector<16xi32>,
      %get3A_405 = vector.shape_cast %get3A_404 : vector<16xi32> to vector<16xi32>
      %ge3A_406 = vector.broadcast %mul3A_0 : i32 to vector<16xi32>
      %ge3A_407 = arith.cmpi sge, %get3A_405, %ge3A_406 : vector<16xi32>
      %add3A_408 = arith.constant 5120 : i32
      %add3A_409 = arith.addi %mul3A_0, %add3A_408 : i32
      %lt3A_410 = vector.broadcast %add3A_409 : i32 to vector<16xi32>
      %lt3A_411 = arith.cmpi slt, %get3A_405, %lt3A_410 : vector<16xi32>
      %and3A_412 = arith.andi %ge3A_407, %lt3A_411 : vector<16xi1>
      %sub3A_413 = vector.broadcast %mul3A_0 : i32 to vector<16xi32>
      %sub3A_414 = arith.subi %get3A_405, %sub3A_413 : vector<16xi32>
      %jit3A_415 = arith.constant 5120 : i32
      %broadcast_in_dim3A_416 = vector.broadcast %jit3A_415 : i32 to vector<16xi32>
      %select_n3A_417 = arith.select %and3A_412, %sub3A_414, %broadcast_in_dim3A_416 : vector<16xi1>, vector<16xi32>
      %swap3A_418 = arith.constant 0 : index
      %swap3A_419 = tpu.vector_load %arg8[%swap3A_418] {strides = array<i32>} : memref<192xi32, #tpu.memory_space<vmem>>, vector<16xi32>,
      %swap3A_420 = vector.shape_cast %swap3A_419 : vector<16xi32> to vector<16xi32>
      %swap3A_421 = vector.shape_cast %select_n3A_417 : vector<16xi32> to vector<16xi32>
      tpu.vector_store %arg8[%swap3A_418], %swap3A_421 {strides = array<i32>} : memref<192xi32, #tpu.memory_space<vmem>>, vector<16xi32>,
      %get3A_422 = arith.constant 16 : index
      %get3A_423 = tpu.vector_load %arg8[%get3A_422] {strides = array<i32>} : memref<192xi32, #tpu.memory_space<vmem>>, vector<16xi32>,
      %get3A_424 = vector.shape_cast %get3A_423 : vector<16xi32> to vector<16xi32>
      %ge3A_425 = vector.broadcast %mul3A_0 : i32 to vector<16xi32>
      %ge3A_426 = arith.cmpi sge, %get3A_424, %ge3A_425 : vector<16xi32>
      %add3A_427 = arith.constant 5120 : i32
      %add3A_428 = arith.addi %mul3A_0, %add3A_427 : i32
      %lt3A_429 = vector.broadcast %add3A_428 : i32 to vector<16xi32>
      %lt3A_430 = arith.cmpi slt, %get3A_424, %lt3A_429 : vector<16xi32>
      %and3A_431 = arith.andi %ge3A_426, %lt3A_430 : vector<16xi1>
      %sub3A_432 = vector.broadcast %mul3A_0 : i32 to vector<16xi32>
      %sub3A_433 = arith.subi %get3A_424, %sub3A_432 : vector<16xi32>
      %jit3A_434 = arith.constant 5120 : i32
      %broadcast_in_dim3A_435 = vector.broadcast %jit3A_434 : i32 to vector<16xi32>
      %select_n3A_436 = arith.select %and3A_431, %sub3A_433, %broadcast_in_dim3A_435 : vector<16xi1>, vector<16xi32>
      %swap3A_437 = arith.constant 16 : index
      %swap3A_438 = tpu.vector_load %arg8[%swap3A_437] {strides = array<i32>} : memref<192xi32, #tpu.memory_space<vmem>>, vector<16xi32>,
      %swap3A_439 = vector.shape_cast %swap3A_438 : vector<16xi32> to vector<16xi32>
      %swap3A_440 = vector.shape_cast %select_n3A_436 : vector<16xi32> to vector<16xi32>
      tpu.vector_store %arg8[%swap3A_437], %swap3A_440 {strides = array<i32>} : memref<192xi32, #tpu.memory_space<vmem>>, vector<16xi32>,
      %get3A_441 = arith.constant 32 : index
      %get3A_442 = tpu.vector_load %arg8[%get3A_441] {strides = array<i32>} : memref<192xi32, #tpu.memory_space<vmem>>, vector<16xi32>,
      %get3A_443 = vector.shape_cast %get3A_442 : vector<16xi32> to vector<16xi32>
      %ge3A_444 = vector.broadcast %mul3A_0 : i32 to vector<16xi32>
      %ge3A_445 = arith.cmpi sge, %get3A_443, %ge3A_444 : vector<16xi32>
      %add3A_446 = arith.constant 5120 : i32
      %add3A_447 = arith.addi %mul3A_0, %add3A_446 : i32
      %lt3A_448 = vector.broadcast %add3A_447 : i32 to vector<16xi32>
      %lt3A_449 = arith.cmpi slt, %get3A_443, %lt3A_448 : vector<16xi32>
      %and3A_450 = arith.andi %ge3A_445, %lt3A_449 : vector<16xi1>
      %sub3A_451 = vector.broadcast %mul3A_0 : i32 to vector<16xi32>
      %sub3A_452 = arith.subi %get3A_443, %sub3A_451 : vector<16xi32>
      %jit3A_453 = arith.constant 5120 : i32
      %broadcast_in_dim3A_454 = vector.broadcast %jit3A_453 : i32 to vector<16xi32>
      %select_n3A_455 = arith.select %and3A_450, %sub3A_452, %broadcast_in_dim3A_454 : vector<16xi1>, vector<16xi32>
      %swap3A_456 = arith.constant 32 : index
      %swap3A_457 = tpu.vector_load %arg8[%swap3A_456] {strides = array<i32>} : memref<192xi32, #tpu.memory_space<vmem>>, vector<16xi32>,
      %swap3A_458 = vector.shape_cast %swap3A_457 : vector<16xi32> to vector<16xi32>
      %swap3A_459 = vector.shape_cast %select_n3A_455 : vector<16xi32> to vector<16xi32>
      tpu.vector_store %arg8[%swap3A_456], %swap3A_459 {strides = array<i32>} : memref<192xi32, #tpu.memory_space<vmem>>, vector<16xi32>,
      %get3A_460 = arith.constant 48 : index
      %get3A_461 = tpu.vector_load %arg8[%get3A_460] {strides = array<i32>} : memref<192xi32, #tpu.memory_space<vmem>>, vector<16xi32>,
      %get3A_462 = vector.shape_cast %get3A_461 : vector<16xi32> to vector<16xi32>
      %ge3A_463 = vector.broadcast %mul3A_0 : i32 to vector<16xi32>
      %ge3A_464 = arith.cmpi sge, %get3A_462, %ge3A_463 : vector<16xi32>
      %add3A_465 = arith.constant 5120 : i32
      %add3A_466 = arith.addi %mul3A_0, %add3A_465 : i32
      %lt3A_467 = vector.broadcast %add3A_466 : i32 to vector<16xi32>
      %lt3A_468 = arith.cmpi slt, %get3A_462, %lt3A_467 : vector<16xi32>
      %and3A_469 = arith.andi %ge3A_464, %lt3A_468 : vector<16xi1>
      %sub3A_470 = vector.broadcast %mul3A_0 : i32 to vector<16xi32>
      %sub3A_471 = arith.subi %get3A_462, %sub3A_470 : vector<16xi32>
      %jit3A_472 = arith.constant 5120 : i32
      %broadcast_in_dim3A_473 = vector.broadcast %jit3A_472 : i32 to vector<16xi32>
      %select_n3A_474 = arith.select %and3A_469, %sub3A_471, %broadcast_in_dim3A_473 : vector<16xi1>, vector<16xi32>
      %swap3A_475 = arith.constant 48 : index
      %swap3A_476 = tpu.vector_load %arg8[%swap3A_475] {strides = array<i32>} : memref<192xi32, #tpu.memory_space<vmem>>, vector<16xi32>,
      %swap3A_477 = vector.shape_cast %swap3A_476 : vector<16xi32> to vector<16xi32>
      %swap3A_478 = vector.shape_cast %select_n3A_474 : vector<16xi32> to vector<16xi32>
      tpu.vector_store %arg8[%swap3A_475], %swap3A_478 {strides = array<i32>} : memref<192xi32, #tpu.memory_space<vmem>>, vector<16xi32>,
      %get3A_479 = arith.constant 64 : index
      %get3A_480 = tpu.vector_load %arg8[%get3A_479] {strides = array<i32>} : memref<192xi32, #tpu.memory_space<vmem>>, vector<16xi32>,
      %get3A_481 = vector.shape_cast %get3A_480 : vector<16xi32> to vector<16xi32>
      %ge3A_482 = vector.broadcast %mul3A_0 : i32 to vector<16xi32>
      %ge3A_483 = arith.cmpi sge, %get3A_481, %ge3A_482 : vector<16xi32>
      %add3A_484 = arith.constant 5120 : i32
      %add3A_485 = arith.addi %mul3A_0, %add3A_484 : i32
      %lt3A_486 = vector.broadcast %add3A_485 : i32 to vector<16xi32>
      %lt3A_487 = arith.cmpi slt, %get3A_481, %lt3A_486 : vector<16xi32>
      %and3A_488 = arith.andi %ge3A_483, %lt3A_487 : vector<16xi1>
      %sub3A_489 = vector.broadcast %mul3A_0 : i32 to vector<16xi32>
      %sub3A_490 = arith.subi %get3A_481, %sub3A_489 : vector<16xi32>
      %jit3A_491 = arith.constant 5120 : i32
      %broadcast_in_dim3A_492 = vector.broadcast %jit3A_491 : i32 to vector<16xi32>
      %select_n3A_493 = arith.select %and3A_488, %sub3A_490, %broadcast_in_dim3A_492 : vector<16xi1>, vector<16xi32>
      %swap3A_494 = arith.constant 64 : index
      %swap3A_495 = tpu.vector_load %arg8[%swap3A_494] {strides = array<i32>} : memref<192xi32, #tpu.memory_space<vmem>>, vector<16xi32>,
      %swap3A_496 = vector.shape_cast %swap3A_495 : vector<16xi32> to vector<16xi32>
      %swap3A_497 = vector.shape_cast %select_n3A_493 : vector<16xi32> to vector<16xi32>
      tpu.vector_store %arg8[%swap3A_494], %swap3A_497 {strides = array<i32>} : memref<192xi32, #tpu.memory_space<vmem>>, vector<16xi32>,
      %get3A_498 = arith.constant 80 : index
      %get3A_499 = tpu.vector_load %arg8[%get3A_498] {strides = array<i32>} : memref<192xi32, #tpu.memory_space<vmem>>, vector<16xi32>,
      %get3A_500 = vector.shape_cast %get3A_499 : vector<16xi32> to vector<16xi32>
      %ge3A_501 = vector.broadcast %mul3A_0 : i32 to vector<16xi32>
      %ge3A_502 = arith.cmpi sge, %get3A_500, %ge3A_501 : vector<16xi32>
      %add3A_503 = arith.constant 5120 : i32
      %add3A_504 = arith.addi %mul3A_0, %add3A_503 : i32
      %lt3A_505 = vector.broadcast %add3A_504 : i32 to vector<16xi32>
      %lt3A_506 = arith.cmpi slt, %get3A_500, %lt3A_505 : vector<16xi32>
      %and3A_507 = arith.andi %ge3A_502, %lt3A_506 : vector<16xi1>
      %sub3A_508 = vector.broadcast %mul3A_0 : i32 to vector<16xi32>
      %sub3A_509 = arith.subi %get3A_500, %sub3A_508 : vector<16xi32>
      %jit3A_510 = arith.constant 5120 : i32
      %broadcast_in_dim3A_511 = vector.broadcast %jit3A_510 : i32 to vector<16xi32>
      %select_n3A_512 = arith.select %and3A_507, %sub3A_509, %broadcast_in_dim3A_511 : vector<16xi1>, vector<16xi32>
      %swap3A_513 = arith.constant 80 : index
      %swap3A_514 = tpu.vector_load %arg8[%swap3A_513] {strides = array<i32>} : memref<192xi32, #tpu.memory_space<vmem>>, vector<16xi32>,
      %swap3A_515 = vector.shape_cast %swap3A_514 : vector<16xi32> to vector<16xi32>
      %swap3A_516 = vector.shape_cast %select_n3A_512 : vector<16xi32> to vector<16xi32>
      tpu.vector_store %arg8[%swap3A_513], %swap3A_516 {strides = array<i32>} : memref<192xi32, #tpu.memory_space<vmem>>, vector<16xi32>,
      %get3A_517 = arith.constant 96 : index
      %get3A_518 = tpu.vector_load %arg8[%get3A_517] {strides = array<i32>} : memref<192xi32, #tpu.memory_space<vmem>>, vector<16xi32>,
      %get3A_519 = vector.shape_cast %get3A_518 : vector<16xi32> to vector<16xi32>
      %ge3A_520 = vector.broadcast %mul3A_0 : i32 to vector<16xi32>
      %ge3A_521 = arith.cmpi sge, %get3A_519, %ge3A_520 : vector<16xi32>
      %add3A_522 = arith.constant 5120 : i32
      %add3A_523 = arith.addi %mul3A_0, %add3A_522 : i32
      %lt3A_524 = vector.broadcast %add3A_523 : i32 to vector<16xi32>
      %lt3A_525 = arith.cmpi slt, %get3A_519, %lt3A_524 : vector<16xi32>
      %and3A_526 = arith.andi %ge3A_521, %lt3A_525 : vector<16xi1>
      %sub3A_527 = vector.broadcast %mul3A_0 : i32 to vector<16xi32>
      %sub3A_528 = arith.subi %get3A_519, %sub3A_527 : vector<16xi32>
      %jit3A_529 = arith.constant 5120 : i32
      %broadcast_in_dim3A_530 = vector.broadcast %jit3A_529 : i32 to vector<16xi32>
      %select_n3A_531 = arith.select %and3A_526, %sub3A_528, %broadcast_in_dim3A_530 : vector<16xi1>, vector<16xi32>
      %swap3A_532 = arith.constant 96 : index
      %swap3A_533 = tpu.vector_load %arg8[%swap3A_532] {strides = array<i32>} : memref<192xi32, #tpu.memory_space<vmem>>, vector<16xi32>,
      %swap3A_534 = vector.shape_cast %swap3A_533 : vector<16xi32> to vector<16xi32>
      %swap3A_535 = vector.shape_cast %select_n3A_531 : vector<16xi32> to vector<16xi32>
      tpu.vector_store %arg8[%swap3A_532], %swap3A_535 {strides = array<i32>} : memref<192xi32, #tpu.memory_space<vmem>>, vector<16xi32>,
      %get3A_536 = arith.constant 112 : index
      %get3A_537 = tpu.vector_load %arg8[%get3A_536] {strides = array<i32>} : memref<192xi32, #tpu.memory_space<vmem>>, vector<16xi32>,
      %get3A_538 = vector.shape_cast %get3A_537 : vector<16xi32> to vector<16xi32>
      %ge3A_539 = vector.broadcast %mul3A_0 : i32 to vector<16xi32>
      %ge3A_540 = arith.cmpi sge, %get3A_538, %ge3A_539 : vector<16xi32>
      %add3A_541 = arith.constant 5120 : i32
      %add3A_542 = arith.addi %mul3A_0, %add3A_541 : i32
      %lt3A_543 = vector.broadcast %add3A_542 : i32 to vector<16xi32>
      %lt3A_544 = arith.cmpi slt, %get3A_538, %lt3A_543 : vector<16xi32>
      %and3A_545 = arith.andi %ge3A_540, %lt3A_544 : vector<16xi1>
      %sub3A_546 = vector.broadcast %mul3A_0 : i32 to vector<16xi32>
      %sub3A_547 = arith.subi %get3A_538, %sub3A_546 : vector<16xi32>
      %jit3A_548 = arith.constant 5120 : i32
      %broadcast_in_dim3A_549 = vector.broadcast %jit3A_548 : i32 to vector<16xi32>
      %select_n3A_550 = arith.select %and3A_545, %sub3A_547, %broadcast_in_dim3A_549 : vector<16xi1>, vector<16xi32>
      %swap3A_551 = arith.constant 112 : index
      %swap3A_552 = tpu.vector_load %arg8[%swap3A_551] {strides = array<i32>} : memref<192xi32, #tpu.memory_space<vmem>>, vector<16xi32>,
      %swap3A_553 = vector.shape_cast %swap3A_552 : vector<16xi32> to vector<16xi32>
      %swap3A_554 = vector.shape_cast %select_n3A_550 : vector<16xi32> to vector<16xi32>
      tpu.vector_store %arg8[%swap3A_551], %swap3A_554 {strides = array<i32>} : memref<192xi32, #tpu.memory_space<vmem>>, vector<16xi32>,
      %get3A_555 = arith.constant 128 : index
      %get3A_556 = tpu.vector_load %arg8[%get3A_555] {strides = array<i32>} : memref<192xi32, #tpu.memory_space<vmem>>, vector<16xi32>,
      %get3A_557 = vector.shape_cast %get3A_556 : vector<16xi32> to vector<16xi32>
      %ge3A_558 = vector.broadcast %mul3A_0 : i32 to vector<16xi32>
      %ge3A_559 = arith.cmpi sge, %get3A_557, %ge3A_558 : vector<16xi32>
      %add3A_560 = arith.constant 5120 : i32
      %add3A_561 = arith.addi %mul3A_0, %add3A_560 : i32
      %lt3A_562 = vector.broadcast %add3A_561 : i32 to vector<16xi32>
      %lt3A_563 = arith.cmpi slt, %get3A_557, %lt3A_562 : vector<16xi32>
      %and3A_564 = arith.andi %ge3A_559, %lt3A_563 : vector<16xi1>
      %sub3A_565 = vector.broadcast %mul3A_0 : i32 to vector<16xi32>
      %sub3A_566 = arith.subi %get3A_557, %sub3A_565 : vector<16xi32>
      %jit3A_567 = arith.constant 5120 : i32
      %broadcast_in_dim3A_568 = vector.broadcast %jit3A_567 : i32 to vector<16xi32>
      %select_n3A_569 = arith.select %and3A_564, %sub3A_566, %broadcast_in_dim3A_568 : vector<16xi1>, vector<16xi32>
      %swap3A_570 = arith.constant 128 : index
      %swap3A_571 = tpu.vector_load %arg8[%swap3A_570] {strides = array<i32>} : memref<192xi32, #tpu.memory_space<vmem>>, vector<16xi32>,
      %swap3A_572 = vector.shape_cast %swap3A_571 : vector<16xi32> to vector<16xi32>
      %swap3A_573 = vector.shape_cast %select_n3A_569 : vector<16xi32> to vector<16xi32>
      tpu.vector_store %arg8[%swap3A_570], %swap3A_573 {strides = array<i32>} : memref<192xi32, #tpu.memory_space<vmem>>, vector<16xi32>,
      %get3A_574 = arith.constant 144 : index
      %get3A_575 = tpu.vector_load %arg8[%get3A_574] {strides = array<i32>} : memref<192xi32, #tpu.memory_space<vmem>>, vector<16xi32>,
      %get3A_576 = vector.shape_cast %get3A_575 : vector<16xi32> to vector<16xi32>
      %ge3A_577 = vector.broadcast %mul3A_0 : i32 to vector<16xi32>
      %ge3A_578 = arith.cmpi sge, %get3A_576, %ge3A_577 : vector<16xi32>
      %add3A_579 = arith.constant 5120 : i32
      %add3A_580 = arith.addi %mul3A_0, %add3A_579 : i32
      %lt3A_581 = vector.broadcast %add3A_580 : i32 to vector<16xi32>
      %lt3A_582 = arith.cmpi slt, %get3A_576, %lt3A_581 : vector<16xi32>
      %and3A_583 = arith.andi %ge3A_578, %lt3A_582 : vector<16xi1>
      %sub3A_584 = vector.broadcast %mul3A_0 : i32 to vector<16xi32>
      %sub3A_585 = arith.subi %get3A_576, %sub3A_584 : vector<16xi32>
      %jit3A_586 = arith.constant 5120 : i32
      %broadcast_in_dim3A_587 = vector.broadcast %jit3A_586 : i32 to vector<16xi32>
      %select_n3A_588 = arith.select %and3A_583, %sub3A_585, %broadcast_in_dim3A_587 : vector<16xi1>, vector<16xi32>
      %swap3A_589 = arith.constant 144 : index
      %swap3A_590 = tpu.vector_load %arg8[%swap3A_589] {strides = array<i32>} : memref<192xi32, #tpu.memory_space<vmem>>, vector<16xi32>,
      %swap3A_591 = vector.shape_cast %swap3A_590 : vector<16xi32> to vector<16xi32>
      %swap3A_592 = vector.shape_cast %select_n3A_588 : vector<16xi32> to vector<16xi32>
      tpu.vector_store %arg8[%swap3A_589], %swap3A_592 {strides = array<i32>} : memref<192xi32, #tpu.memory_space<vmem>>, vector<16xi32>,
      %get3A_593 = arith.constant 160 : index
      %get3A_594 = tpu.vector_load %arg8[%get3A_593] {strides = array<i32>} : memref<192xi32, #tpu.memory_space<vmem>>, vector<16xi32>,
      %get3A_595 = vector.shape_cast %get3A_594 : vector<16xi32> to vector<16xi32>
      %ge3A_596 = vector.broadcast %mul3A_0 : i32 to vector<16xi32>
      %ge3A_597 = arith.cmpi sge, %get3A_595, %ge3A_596 : vector<16xi32>
      %add3A_598 = arith.constant 5120 : i32
      %add3A_599 = arith.addi %mul3A_0, %add3A_598 : i32
      %lt3A_600 = vector.broadcast %add3A_599 : i32 to vector<16xi32>
      %lt3A_601 = arith.cmpi slt, %get3A_595, %lt3A_600 : vector<16xi32>
      %and3A_602 = arith.andi %ge3A_597, %lt3A_601 : vector<16xi1>
      %sub3A_603 = vector.broadcast %mul3A_0 : i32 to vector<16xi32>
      %sub3A_604 = arith.subi %get3A_595, %sub3A_603 : vector<16xi32>
      %jit3A_605 = arith.constant 5120 : i32
      %broadcast_in_dim3A_606 = vector.broadcast %jit3A_605 : i32 to vector<16xi32>
      %select_n3A_607 = arith.select %and3A_602, %sub3A_604, %broadcast_in_dim3A_606 : vector<16xi1>, vector<16xi32>
      %swap3A_608 = arith.constant 160 : index
      %swap3A_609 = tpu.vector_load %arg8[%swap3A_608] {strides = array<i32>} : memref<192xi32, #tpu.memory_space<vmem>>, vector<16xi32>,
      %swap3A_610 = vector.shape_cast %swap3A_609 : vector<16xi32> to vector<16xi32>
      %swap3A_611 = vector.shape_cast %select_n3A_607 : vector<16xi32> to vector<16xi32>
      tpu.vector_store %arg8[%swap3A_608], %swap3A_611 {strides = array<i32>} : memref<192xi32, #tpu.memory_space<vmem>>, vector<16xi32>,
      %get3A_612 = arith.constant 176 : index
      %get3A_613 = tpu.vector_load %arg8[%get3A_612] {strides = array<i32>} : memref<192xi32, #tpu.memory_space<vmem>>, vector<16xi32>,
      %get3A_614 = vector.shape_cast %get3A_613 : vector<16xi32> to vector<16xi32>
      %ge3A_615 = vector.broadcast %mul3A_0 : i32 to vector<16xi32>
      %ge3A_616 = arith.cmpi sge, %get3A_614, %ge3A_615 : vector<16xi32>
      %add3A_617 = arith.constant 5120 : i32
      %add3A_618 = arith.addi %mul3A_0, %add3A_617 : i32
      %lt3A_619 = vector.broadcast %add3A_618 : i32 to vector<16xi32>
      %lt3A_620 = arith.cmpi slt, %get3A_614, %lt3A_619 : vector<16xi32>
      %and3A_621 = arith.andi %ge3A_616, %lt3A_620 : vector<16xi1>
      %sub3A_622 = vector.broadcast %mul3A_0 : i32 to vector<16xi32>
      %sub3A_623 = arith.subi %get3A_614, %sub3A_622 : vector<16xi32>
      %jit3A_624 = arith.constant 5120 : i32
      %broadcast_in_dim3A_625 = vector.broadcast %jit3A_624 : i32 to vector<16xi32>
      %select_n3A_626 = arith.select %and3A_621, %sub3A_623, %broadcast_in_dim3A_625 : vector<16xi1>, vector<16xi32>
      %swap3A_627 = arith.constant 176 : index
      %swap3A_628 = tpu.vector_load %arg8[%swap3A_627] {strides = array<i32>} : memref<192xi32, #tpu.memory_space<vmem>>, vector<16xi32>,
      %swap3A_629 = vector.shape_cast %swap3A_628 : vector<16xi32> to vector<16xi32>
      %swap3A_630 = vector.shape_cast %select_n3A_626 : vector<16xi32> to vector<16xi32>
      tpu.vector_store %arg8[%swap3A_627], %swap3A_630 {strides = array<i32>} : memref<192xi32, #tpu.memory_space<vmem>>, vector<16xi32>,
      %dma_start3A_631 = arith.constant 0 : i32
      %dma_start3A_632 = tpu.memref_slice %arg8[%dma_start3A_631] : memref<192xi32, #tpu.memory_space<vmem>> -> memref<24xi32, #tpu.memory_space<vmem>>
      %dma_start3A_633 = arith.constant 0 : i32
      %dma_start3A_634 = arith.constant 0 : i32
      %dma_start3A_635 = tpu.memref_slice %arg13[%dma_start3A_633, %dma_start3A_634] : memref<5128x128xf32, #tpu.memory_space<vmem_shared>> -> memref<5128x128xf32, #tpu.memory_space<vmem_shared>>
      tpu.enqueue_indirect_dma source(%dma_start3A_635 : memref<5128x128xf32, #tpu.memory_space<vmem_shared>>) target(%arg11 : memref<24x128xf32, #tpu.memory_space<vmem>>) offsets(%dma_start3A_632 : memref<24xi32, #tpu.memory_space<vmem>>) semaphore(%arg15 : memref<!tpu.dma_semaphore, #tpu.memory_space<semaphore_mem>>)
      %dma_start3A_636 = arith.constant 24 : i32
      %dma_start3A_637 = tpu.memref_slice %arg8[%dma_start3A_636] : memref<192xi32, #tpu.memory_space<vmem>> -> memref<24xi32, #tpu.memory_space<vmem>>
      %dma_start3A_638 = arith.constant 0 : i32
      %dma_start3A_639 = arith.constant 0 : i32
      %dma_start3A_640 = tpu.memref_slice %arg13[%dma_start3A_638, %dma_start3A_639] : memref<5128x128xf32, #tpu.memory_space<vmem_shared>> -> memref<5128x128xf32, #tpu.memory_space<vmem_shared>>
      tpu.enqueue_indirect_dma source(%dma_start3A_640 : memref<5128x128xf32, #tpu.memory_space<vmem_shared>>) target(%arg12 : memref<24x128xf32, #tpu.memory_space<vmem>>) offsets(%dma_start3A_637 : memref<24xi32, #tpu.memory_space<vmem>>) semaphore(%arg16 : memref<!tpu.dma_semaphore, #tpu.memory_space<semaphore_mem>>)
      %dma_wait3A_641 = arith.constant 0 : i32
      %dma_wait3A_642 = tpu.memref_slice %arg8[%dma_wait3A_641] : memref<192xi32, #tpu.memory_space<vmem>> -> memref<24xi32, #tpu.memory_space<vmem>>
      %dma_wait3A_643 = arith.constant 0 : i32
      %dma_wait3A_644 = arith.constant 0 : i32
      %dma_wait3A_645 = tpu.memref_slice %arg13[%dma_wait3A_643, %dma_wait3A_644] : memref<5128x128xf32, #tpu.memory_space<vmem_shared>> -> memref<5128x128xf32, #tpu.memory_space<vmem_shared>>
      tpu.wait_indirect_dma semaphore(%arg15 : memref<!tpu.dma_semaphore, #tpu.memory_space<semaphore_mem>>) src(%dma_wait3A_645 : memref<5128x128xf32, #tpu.memory_space<vmem_shared>>) dst(%arg11 : memref<24x128xf32, #tpu.memory_space<vmem>>)
      %run_scoped3A_646 = arith.constant 0 : i32
      "tpu.region"() ({
        %run_scoped3A_726 = tpu.sem_alloc : memref<!tpu.dma_semaphore, #tpu.memory_space<semaphore_mem>>
        %dma_start3A_727 = arith.constant 0 : i32
        %dma_start3A_728 = tpu.memref_slice %arg10[%run_scoped3A_646, %dma_start3A_727] : memref<8x24xi32, #tpu.memory_space<vmem>> -> memref<1x24xi32, #tpu.memory_space<vmem>>
        %dma_start3A_729 = tpu.memref_squeeze %dma_start3A_728 : memref<1x24xi32, #tpu.memory_space<vmem>> -> memref<24xi32, #tpu.memory_space<vmem>>
        %dma_start3A_730 = arith.constant 0 : i32
        %dma_start3A_731 = arith.constant 0 : i32
        %dma_start3A_732 = tpu.memref_slice %arg14[%dma_start3A_730, %dma_start3A_731] : memref<10112x128xf32, #tpu.memory_space<vmem_shared>> -> memref<10112x128xf32, #tpu.memory_space<vmem_shared>>
        tpu.enqueue_indirect_dma source(%arg11 : memref<24x128xf32, #tpu.memory_space<vmem>>) target(%dma_start3A_732 : memref<10112x128xf32, #tpu.memory_space<vmem_shared>>) offsets(%dma_start3A_729 : memref<24xi32, #tpu.memory_space<vmem>>) semaphore(%run_scoped3A_726 : memref<!tpu.dma_semaphore, #tpu.memory_space<semaphore_mem>>) {add = true}
        %dma_wait3A_733 = arith.constant 0 : i32
        %dma_wait3A_734 = tpu.memref_slice %arg10[%run_scoped3A_646, %dma_wait3A_733] : memref<8x24xi32, #tpu.memory_space<vmem>> -> memref<1x24xi32, #tpu.memory_space<vmem>>
        %dma_wait3A_735 = tpu.memref_squeeze %dma_wait3A_734 : memref<1x24xi32, #tpu.memory_space<vmem>> -> memref<24xi32, #tpu.memory_space<vmem>>
        %dma_wait3A_736 = arith.constant 0 : i32
        %dma_wait3A_737 = arith.constant 0 : i32
        %dma_wait3A_738 = tpu.memref_slice %arg14[%dma_wait3A_736, %dma_wait3A_737] : memref<10112x128xf32, #tpu.memory_space<vmem_shared>> -> memref<10112x128xf32, #tpu.memory_space<vmem_shared>>
        tpu.wait_indirect_dma semaphore(%run_scoped3A_726 : memref<!tpu.dma_semaphore, #tpu.memory_space<semaphore_mem>>) src(%arg11 : memref<24x128xf32, #tpu.memory_space<vmem>>) dst(%dma_wait3A_738 : memref<10112x128xf32, #tpu.memory_space<vmem_shared>>)
        tpu.yield
      }) : () -> ()
      %dma_start3A_647 = arith.constant 48 : i32
      %dma_start3A_648 = tpu.memref_slice %arg8[%dma_start3A_647] : memref<192xi32, #tpu.memory_space<vmem>> -> memref<24xi32, #tpu.memory_space<vmem>>
      %dma_start3A_649 = arith.constant 0 : i32
      %dma_start3A_650 = arith.constant 0 : i32
      %dma_start3A_651 = tpu.memref_slice %arg13[%dma_start3A_649, %dma_start3A_650] : memref<5128x128xf32, #tpu.memory_space<vmem_shared>> -> memref<5128x128xf32, #tpu.memory_space<vmem_shared>>
      tpu.enqueue_indirect_dma source(%dma_start3A_651 : memref<5128x128xf32, #tpu.memory_space<vmem_shared>>) target(%arg11 : memref<24x128xf32, #tpu.memory_space<vmem>>) offsets(%dma_start3A_648 : memref<24xi32, #tpu.memory_space<vmem>>) semaphore(%arg15 : memref<!tpu.dma_semaphore, #tpu.memory_space<semaphore_mem>>)
      %dma_wait3A_652 = arith.constant 24 : i32
      %dma_wait3A_653 = tpu.memref_slice %arg8[%dma_wait3A_652] : memref<192xi32, #tpu.memory_space<vmem>> -> memref<24xi32, #tpu.memory_space<vmem>>
      %dma_wait3A_654 = arith.constant 0 : i32
      %dma_wait3A_655 = arith.constant 0 : i32
      %dma_wait3A_656 = tpu.memref_slice %arg13[%dma_wait3A_654, %dma_wait3A_655] : memref<5128x128xf32, #tpu.memory_space<vmem_shared>> -> memref<5128x128xf32, #tpu.memory_space<vmem_shared>>
      tpu.wait_indirect_dma semaphore(%arg16 : memref<!tpu.dma_semaphore, #tpu.memory_space<semaphore_mem>>) src(%dma_wait3A_656 : memref<5128x128xf32, #tpu.memory_space<vmem_shared>>) dst(%arg12 : memref<24x128xf32, #tpu.memory_space<vmem>>)
      %run_scoped3A_657 = arith.constant 1 : i32
      "tpu.region"() ({
        %run_scoped3A_726 = tpu.sem_alloc : memref<!tpu.dma_semaphore, #tpu.memory_space<semaphore_mem>>
        %dma_start3A_727 = arith.constant 0 : i32
        %dma_start3A_728 = tpu.memref_slice %arg10[%run_scoped3A_657, %dma_start3A_727] : memref<8x24xi32, #tpu.memory_space<vmem>> -> memref<1x24xi32, #tpu.memory_space<vmem>>
        %dma_start3A_729 = tpu.memref_squeeze %dma_start3A_728 : memref<1x24xi32, #tpu.memory_space<vmem>> -> memref<24xi32, #tpu.memory_space<vmem>>
        %dma_start3A_730 = arith.constant 0 : i32
        %dma_start3A_731 = arith.constant 0 : i32
        %dma_start3A_732 = tpu.memref_slice %arg14[%dma_start3A_730, %dma_start3A_731] : memref<10112x128xf32, #tpu.memory_space<vmem_shared>> -> memref<10112x128xf32, #tpu.memory_space<vmem_shared>>
        tpu.enqueue_indirect_dma source(%arg12 : memref<24x128xf32, #tpu.memory_space<vmem>>) target(%dma_start3A_732 : memref<10112x128xf32, #tpu.memory_space<vmem_shared>>) offsets(%dma_start3A_729 : memref<24xi32, #tpu.memory_space<vmem>>) semaphore(%run_scoped3A_726 : memref<!tpu.dma_semaphore, #tpu.memory_space<semaphore_mem>>) {add = true}
        %dma_wait3A_733 = arith.constant 0 : i32
        %dma_wait3A_734 = tpu.memref_slice %arg10[%run_scoped3A_657, %dma_wait3A_733] : memref<8x24xi32, #tpu.memory_space<vmem>> -> memref<1x24xi32, #tpu.memory_space<vmem>>
        %dma_wait3A_735 = tpu.memref_squeeze %dma_wait3A_734 : memref<1x24xi32, #tpu.memory_space<vmem>> -> memref<24xi32, #tpu.memory_space<vmem>>
        %dma_wait3A_736 = arith.constant 0 : i32
        %dma_wait3A_737 = arith.constant 0 : i32
        %dma_wait3A_738 = tpu.memref_slice %arg14[%dma_wait3A_736, %dma_wait3A_737] : memref<10112x128xf32, #tpu.memory_space<vmem_shared>> -> memref<10112x128xf32, #tpu.memory_space<vmem_shared>>
        tpu.wait_indirect_dma semaphore(%run_scoped3A_726 : memref<!tpu.dma_semaphore, #tpu.memory_space<semaphore_mem>>) src(%arg12 : memref<24x128xf32, #tpu.memory_space<vmem>>) dst(%dma_wait3A_738 : memref<10112x128xf32, #tpu.memory_space<vmem_shared>>)
        tpu.yield
      }) : () -> ()
      %dma_start3A_658 = arith.constant 72 : i32
      %dma_start3A_659 = tpu.memref_slice %arg8[%dma_start3A_658] : memref<192xi32, #tpu.memory_space<vmem>> -> memref<24xi32, #tpu.memory_space<vmem>>
      %dma_start3A_660 = arith.constant 0 : i32
      %dma_start3A_661 = arith.constant 0 : i32
      %dma_start3A_662 = tpu.memref_slice %arg13[%dma_start3A_660, %dma_start3A_661] : memref<5128x128xf32, #tpu.memory_space<vmem_shared>> -> memref<5128x128xf32, #tpu.memory_space<vmem_shared>>
      tpu.enqueue_indirect_dma source(%dma_start3A_662 : memref<5128x128xf32, #tpu.memory_space<vmem_shared>>) target(%arg12 : memref<24x128xf32, #tpu.memory_space<vmem>>) offsets(%dma_start3A_659 : memref<24xi32, #tpu.memory_space<vmem>>) semaphore(%arg16 : memref<!tpu.dma_semaphore, #tpu.memory_space<semaphore_mem>>)
      %dma_wait3A_663 = arith.constant 48 : i32
      %dma_wait3A_664 = tpu.memref_slice %arg8[%dma_wait3A_663] : memref<192xi32, #tpu.memory_space<vmem>> -> memref<24xi32, #tpu.memory_space<vmem>>
      %dma_wait3A_665 = arith.constant 0 : i32
      %dma_wait3A_666 = arith.constant 0 : i32
      %dma_wait3A_667 = tpu.memref_slice %arg13[%dma_wait3A_665, %dma_wait3A_666] : memref<5128x128xf32, #tpu.memory_space<vmem_shared>> -> memref<5128x128xf32, #tpu.memory_space<vmem_shared>>
      tpu.wait_indirect_dma semaphore(%arg15 : memref<!tpu.dma_semaphore, #tpu.memory_space<semaphore_mem>>) src(%dma_wait3A_667 : memref<5128x128xf32, #tpu.memory_space<vmem_shared>>) dst(%arg11 : memref<24x128xf32, #tpu.memory_space<vmem>>)
      %run_scoped3A_668 = arith.constant 2 : i32
      "tpu.region"() ({
        %run_scoped3A_726 = tpu.sem_alloc : memref<!tpu.dma_semaphore, #tpu.memory_space<semaphore_mem>>
        %dma_start3A_727 = arith.constant 0 : i32
        %dma_start3A_728 = tpu.memref_slice %arg10[%run_scoped3A_668, %dma_start3A_727] : memref<8x24xi32, #tpu.memory_space<vmem>> -> memref<1x24xi32, #tpu.memory_space<vmem>>
        %dma_start3A_729 = tpu.memref_squeeze %dma_start3A_728 : memref<1x24xi32, #tpu.memory_space<vmem>> -> memref<24xi32, #tpu.memory_space<vmem>>
        %dma_start3A_730 = arith.constant 0 : i32
        %dma_start3A_731 = arith.constant 0 : i32
        %dma_start3A_732 = tpu.memref_slice %arg14[%dma_start3A_730, %dma_start3A_731] : memref<10112x128xf32, #tpu.memory_space<vmem_shared>> -> memref<10112x128xf32, #tpu.memory_space<vmem_shared>>
        tpu.enqueue_indirect_dma source(%arg11 : memref<24x128xf32, #tpu.memory_space<vmem>>) target(%dma_start3A_732 : memref<10112x128xf32, #tpu.memory_space<vmem_shared>>) offsets(%dma_start3A_729 : memref<24xi32, #tpu.memory_space<vmem>>) semaphore(%run_scoped3A_726 : memref<!tpu.dma_semaphore, #tpu.memory_space<semaphore_mem>>) {add = true}
        %dma_wait3A_733 = arith.constant 0 : i32
        %dma_wait3A_734 = tpu.memref_slice %arg10[%run_scoped3A_668, %dma_wait3A_733] : memref<8x24xi32, #tpu.memory_space<vmem>> -> memref<1x24xi32, #tpu.memory_space<vmem>>
        %dma_wait3A_735 = tpu.memref_squeeze %dma_wait3A_734 : memref<1x24xi32, #tpu.memory_space<vmem>> -> memref<24xi32, #tpu.memory_space<vmem>>
        %dma_wait3A_736 = arith.constant 0 : i32
        %dma_wait3A_737 = arith.constant 0 : i32
        %dma_wait3A_738 = tpu.memref_slice %arg14[%dma_wait3A_736, %dma_wait3A_737] : memref<10112x128xf32, #tpu.memory_space<vmem_shared>> -> memref<10112x128xf32, #tpu.memory_space<vmem_shared>>
        tpu.wait_indirect_dma semaphore(%run_scoped3A_726 : memref<!tpu.dma_semaphore, #tpu.memory_space<semaphore_mem>>) src(%arg11 : memref<24x128xf32, #tpu.memory_space<vmem>>) dst(%dma_wait3A_738 : memref<10112x128xf32, #tpu.memory_space<vmem_shared>>)
        tpu.yield
      }) : () -> ()
      %dma_start3A_669 = arith.constant 96 : i32
      %dma_start3A_670 = tpu.memref_slice %arg8[%dma_start3A_669] : memref<192xi32, #tpu.memory_space<vmem>> -> memref<24xi32, #tpu.memory_space<vmem>>
      %dma_start3A_671 = arith.constant 0 : i32
      %dma_start3A_672 = arith.constant 0 : i32
      %dma_start3A_673 = tpu.memref_slice %arg13[%dma_start3A_671, %dma_start3A_672] : memref<5128x128xf32, #tpu.memory_space<vmem_shared>> -> memref<5128x128xf32, #tpu.memory_space<vmem_shared>>
      tpu.enqueue_indirect_dma source(%dma_start3A_673 : memref<5128x128xf32, #tpu.memory_space<vmem_shared>>) target(%arg11 : memref<24x128xf32, #tpu.memory_space<vmem>>) offsets(%dma_start3A_670 : memref<24xi32, #tpu.memory_space<vmem>>) semaphore(%arg15 : memref<!tpu.dma_semaphore, #tpu.memory_space<semaphore_mem>>)
      %dma_wait3A_674 = arith.constant 72 : i32
      %dma_wait3A_675 = tpu.memref_slice %arg8[%dma_wait3A_674] : memref<192xi32, #tpu.memory_space<vmem>> -> memref<24xi32, #tpu.memory_space<vmem>>
      %dma_wait3A_676 = arith.constant 0 : i32
      %dma_wait3A_677 = arith.constant 0 : i32
      %dma_wait3A_678 = tpu.memref_slice %arg13[%dma_wait3A_676, %dma_wait3A_677] : memref<5128x128xf32, #tpu.memory_space<vmem_shared>> -> memref<5128x128xf32, #tpu.memory_space<vmem_shared>>
      tpu.wait_indirect_dma semaphore(%arg16 : memref<!tpu.dma_semaphore, #tpu.memory_space<semaphore_mem>>) src(%dma_wait3A_678 : memref<5128x128xf32, #tpu.memory_space<vmem_shared>>) dst(%arg12 : memref<24x128xf32, #tpu.memory_space<vmem>>)
      %run_scoped3A_679 = arith.constant 3 : i32
      "tpu.region"() ({
        %run_scoped3A_726 = tpu.sem_alloc : memref<!tpu.dma_semaphore, #tpu.memory_space<semaphore_mem>>
        %dma_start3A_727 = arith.constant 0 : i32
        %dma_start3A_728 = tpu.memref_slice %arg10[%run_scoped3A_679, %dma_start3A_727] : memref<8x24xi32, #tpu.memory_space<vmem>> -> memref<1x24xi32, #tpu.memory_space<vmem>>
        %dma_start3A_729 = tpu.memref_squeeze %dma_start3A_728 : memref<1x24xi32, #tpu.memory_space<vmem>> -> memref<24xi32, #tpu.memory_space<vmem>>
        %dma_start3A_730 = arith.constant 0 : i32
        %dma_start3A_731 = arith.constant 0 : i32
        %dma_start3A_732 = tpu.memref_slice %arg14[%dma_start3A_730, %dma_start3A_731] : memref<10112x128xf32, #tpu.memory_space<vmem_shared>> -> memref<10112x128xf32, #tpu.memory_space<vmem_shared>>
        tpu.enqueue_indirect_dma source(%arg12 : memref<24x128xf32, #tpu.memory_space<vmem>>) target(%dma_start3A_732 : memref<10112x128xf32, #tpu.memory_space<vmem_shared>>) offsets(%dma_start3A_729 : memref<24xi32, #tpu.memory_space<vmem>>) semaphore(%run_scoped3A_726 : memref<!tpu.dma_semaphore, #tpu.memory_space<semaphore_mem>>) {add = true}
        %dma_wait3A_733 = arith.constant 0 : i32
        %dma_wait3A_734 = tpu.memref_slice %arg10[%run_scoped3A_679, %dma_wait3A_733] : memref<8x24xi32, #tpu.memory_space<vmem>> -> memref<1x24xi32, #tpu.memory_space<vmem>>
        %dma_wait3A_735 = tpu.memref_squeeze %dma_wait3A_734 : memref<1x24xi32, #tpu.memory_space<vmem>> -> memref<24xi32, #tpu.memory_space<vmem>>
        %dma_wait3A_736 = arith.constant 0 : i32
        %dma_wait3A_737 = arith.constant 0 : i32
        %dma_wait3A_738 = tpu.memref_slice %arg14[%dma_wait3A_736, %dma_wait3A_737] : memref<10112x128xf32, #tpu.memory_space<vmem_shared>> -> memref<10112x128xf32, #tpu.memory_space<vmem_shared>>
        tpu.wait_indirect_dma semaphore(%run_scoped3A_726 : memref<!tpu.dma_semaphore, #tpu.memory_space<semaphore_mem>>) src(%arg12 : memref<24x128xf32, #tpu.memory_space<vmem>>) dst(%dma_wait3A_738 : memref<10112x128xf32, #tpu.memory_space<vmem_shared>>)
        tpu.yield
      }) : () -> ()
      %dma_start3A_680 = arith.constant 120 : i32
      %dma_start3A_681 = tpu.memref_slice %arg8[%dma_start3A_680] : memref<192xi32, #tpu.memory_space<vmem>> -> memref<24xi32, #tpu.memory_space<vmem>>
      %dma_start3A_682 = arith.constant 0 : i32
      %dma_start3A_683 = arith.constant 0 : i32
      %dma_start3A_684 = tpu.memref_slice %arg13[%dma_start3A_682, %dma_start3A_683] : memref<5128x128xf32, #tpu.memory_space<vmem_shared>> -> memref<5128x128xf32, #tpu.memory_space<vmem_shared>>
      tpu.enqueue_indirect_dma source(%dma_start3A_684 : memref<5128x128xf32, #tpu.memory_space<vmem_shared>>) target(%arg12 : memref<24x128xf32, #tpu.memory_space<vmem>>) offsets(%dma_start3A_681 : memref<24xi32, #tpu.memory_space<vmem>>) semaphore(%arg16 : memref<!tpu.dma_semaphore, #tpu.memory_space<semaphore_mem>>)
      %dma_wait3A_685 = arith.constant 96 : i32
      %dma_wait3A_686 = tpu.memref_slice %arg8[%dma_wait3A_685] : memref<192xi32, #tpu.memory_space<vmem>> -> memref<24xi32, #tpu.memory_space<vmem>>
      %dma_wait3A_687 = arith.constant 0 : i32
      %dma_wait3A_688 = arith.constant 0 : i32
      %dma_wait3A_689 = tpu.memref_slice %arg13[%dma_wait3A_687, %dma_wait3A_688] : memref<5128x128xf32, #tpu.memory_space<vmem_shared>> -> memref<5128x128xf32, #tpu.memory_space<vmem_shared>>
      tpu.wait_indirect_dma semaphore(%arg15 : memref<!tpu.dma_semaphore, #tpu.memory_space<semaphore_mem>>) src(%dma_wait3A_689 : memref<5128x128xf32, #tpu.memory_space<vmem_shared>>) dst(%arg11 : memref<24x128xf32, #tpu.memory_space<vmem>>)
      %run_scoped3A_690 = arith.constant 4 : i32
      "tpu.region"() ({
        %run_scoped3A_726 = tpu.sem_alloc : memref<!tpu.dma_semaphore, #tpu.memory_space<semaphore_mem>>
        %dma_start3A_727 = arith.constant 0 : i32
        %dma_start3A_728 = tpu.memref_slice %arg10[%run_scoped3A_690, %dma_start3A_727] : memref<8x24xi32, #tpu.memory_space<vmem>> -> memref<1x24xi32, #tpu.memory_space<vmem>>
        %dma_start3A_729 = tpu.memref_squeeze %dma_start3A_728 : memref<1x24xi32, #tpu.memory_space<vmem>> -> memref<24xi32, #tpu.memory_space<vmem>>
        %dma_start3A_730 = arith.constant 0 : i32
        %dma_start3A_731 = arith.constant 0 : i32
        %dma_start3A_732 = tpu.memref_slice %arg14[%dma_start3A_730, %dma_start3A_731] : memref<10112x128xf32, #tpu.memory_space<vmem_shared>> -> memref<10112x128xf32, #tpu.memory_space<vmem_shared>>
        tpu.enqueue_indirect_dma source(%arg11 : memref<24x128xf32, #tpu.memory_space<vmem>>) target(%dma_start3A_732 : memref<10112x128xf32, #tpu.memory_space<vmem_shared>>) offsets(%dma_start3A_729 : memref<24xi32, #tpu.memory_space<vmem>>) semaphore(%run_scoped3A_726 : memref<!tpu.dma_semaphore, #tpu.memory_space<semaphore_mem>>) {add = true}
        %dma_wait3A_733 = arith.constant 0 : i32
        %dma_wait3A_734 = tpu.memref_slice %arg10[%run_scoped3A_690, %dma_wait3A_733] : memref<8x24xi32, #tpu.memory_space<vmem>> -> memref<1x24xi32, #tpu.memory_space<vmem>>
        %dma_wait3A_735 = tpu.memref_squeeze %dma_wait3A_734 : memref<1x24xi32, #tpu.memory_space<vmem>> -> memref<24xi32, #tpu.memory_space<vmem>>
        %dma_wait3A_736 = arith.constant 0 : i32
        %dma_wait3A_737 = arith.constant 0 : i32
        %dma_wait3A_738 = tpu.memref_slice %arg14[%dma_wait3A_736, %dma_wait3A_737] : memref<10112x128xf32, #tpu.memory_space<vmem_shared>> -> memref<10112x128xf32, #tpu.memory_space<vmem_shared>>
        tpu.wait_indirect_dma semaphore(%run_scoped3A_726 : memref<!tpu.dma_semaphore, #tpu.memory_space<semaphore_mem>>) src(%arg11 : memref<24x128xf32, #tpu.memory_space<vmem>>) dst(%dma_wait3A_738 : memref<10112x128xf32, #tpu.memory_space<vmem_shared>>)
        tpu.yield
      }) : () -> ()
      %dma_start3A_691 = arith.constant 144 : i32
      %dma_start3A_692 = tpu.memref_slice %arg8[%dma_start3A_691] : memref<192xi32, #tpu.memory_space<vmem>> -> memref<24xi32, #tpu.memory_space<vmem>>
      %dma_start3A_693 = arith.constant 0 : i32
      %dma_start3A_694 = arith.constant 0 : i32
      %dma_start3A_695 = tpu.memref_slice %arg13[%dma_start3A_693, %dma_start3A_694] : memref<5128x128xf32, #tpu.memory_space<vmem_shared>> -> memref<5128x128xf32, #tpu.memory_space<vmem_shared>>
      tpu.enqueue_indirect_dma source(%dma_start3A_695 : memref<5128x128xf32, #tpu.memory_space<vmem_shared>>) target(%arg11 : memref<24x128xf32, #tpu.memory_space<vmem>>) offsets(%dma_start3A_692 : memref<24xi32, #tpu.memory_space<vmem>>) semaphore(%arg15 : memref<!tpu.dma_semaphore, #tpu.memory_space<semaphore_mem>>)
      %dma_wait3A_696 = arith.constant 120 : i32
      %dma_wait3A_697 = tpu.memref_slice %arg8[%dma_wait3A_696] : memref<192xi32, #tpu.memory_space<vmem>> -> memref<24xi32, #tpu.memory_space<vmem>>
      %dma_wait3A_698 = arith.constant 0 : i32
      %dma_wait3A_699 = arith.constant 0 : i32
      %dma_wait3A_700 = tpu.memref_slice %arg13[%dma_wait3A_698, %dma_wait3A_699] : memref<5128x128xf32, #tpu.memory_space<vmem_shared>> -> memref<5128x128xf32, #tpu.memory_space<vmem_shared>>
      tpu.wait_indirect_dma semaphore(%arg16 : memref<!tpu.dma_semaphore, #tpu.memory_space<semaphore_mem>>) src(%dma_wait3A_700 : memref<5128x128xf32, #tpu.memory_space<vmem_shared>>) dst(%arg12 : memref<24x128xf32, #tpu.memory_space<vmem>>)
      %run_scoped3A_701 = arith.constant 5 : i32
      "tpu.region"() ({
        %run_scoped3A_726 = tpu.sem_alloc : memref<!tpu.dma_semaphore, #tpu.memory_space<semaphore_mem>>
        %dma_start3A_727 = arith.constant 0 : i32
        %dma_start3A_728 = tpu.memref_slice %arg10[%run_scoped3A_701, %dma_start3A_727] : memref<8x24xi32, #tpu.memory_space<vmem>> -> memref<1x24xi32, #tpu.memory_space<vmem>>
        %dma_start3A_729 = tpu.memref_squeeze %dma_start3A_728 : memref<1x24xi32, #tpu.memory_space<vmem>> -> memref<24xi32, #tpu.memory_space<vmem>>
        %dma_start3A_730 = arith.constant 0 : i32
        %dma_start3A_731 = arith.constant 0 : i32
        %dma_start3A_732 = tpu.memref_slice %arg14[%dma_start3A_730, %dma_start3A_731] : memref<10112x128xf32, #tpu.memory_space<vmem_shared>> -> memref<10112x128xf32, #tpu.memory_space<vmem_shared>>
        tpu.enqueue_indirect_dma source(%arg12 : memref<24x128xf32, #tpu.memory_space<vmem>>) target(%dma_start3A_732 : memref<10112x128xf32, #tpu.memory_space<vmem_shared>>) offsets(%dma_start3A_729 : memref<24xi32, #tpu.memory_space<vmem>>) semaphore(%run_scoped3A_726 : memref<!tpu.dma_semaphore, #tpu.memory_space<semaphore_mem>>) {add = true}
        %dma_wait3A_733 = arith.constant 0 : i32
        %dma_wait3A_734 = tpu.memref_slice %arg10[%run_scoped3A_701, %dma_wait3A_733] : memref<8x24xi32, #tpu.memory_space<vmem>> -> memref<1x24xi32, #tpu.memory_space<vmem>>
        %dma_wait3A_735 = tpu.memref_squeeze %dma_wait3A_734 : memref<1x24xi32, #tpu.memory_space<vmem>> -> memref<24xi32, #tpu.memory_space<vmem>>
        %dma_wait3A_736 = arith.constant 0 : i32
        %dma_wait3A_737 = arith.constant 0 : i32
        %dma_wait3A_738 = tpu.memref_slice %arg14[%dma_wait3A_736, %dma_wait3A_737] : memref<10112x128xf32, #tpu.memory_space<vmem_shared>> -> memref<10112x128xf32, #tpu.memory_space<vmem_shared>>
        tpu.wait_indirect_dma semaphore(%run_scoped3A_726 : memref<!tpu.dma_semaphore, #tpu.memory_space<semaphore_mem>>) src(%arg12 : memref<24x128xf32, #tpu.memory_space<vmem>>) dst(%dma_wait3A_738 : memref<10112x128xf32, #tpu.memory_space<vmem_shared>>)
        tpu.yield
      }) : () -> ()
      %dma_start3A_702 = arith.constant 168 : i32
      %dma_start3A_703 = tpu.memref_slice %arg8[%dma_start3A_702] : memref<192xi32, #tpu.memory_space<vmem>> -> memref<24xi32, #tpu.memory_space<vmem>>
      %dma_start3A_704 = arith.constant 0 : i32
      %dma_start3A_705 = arith.constant 0 : i32
      %dma_start3A_706 = tpu.memref_slice %arg13[%dma_start3A_704, %dma_start3A_705] : memref<5128x128xf32, #tpu.memory_space<vmem_shared>> -> memref<5128x128xf32, #tpu.memory_space<vmem_shared>>
      tpu.enqueue_indirect_dma source(%dma_start3A_706 : memref<5128x128xf32, #tpu.memory_space<vmem_shared>>) target(%arg12 : memref<24x128xf32, #tpu.memory_space<vmem>>) offsets(%dma_start3A_703 : memref<24xi32, #tpu.memory_space<vmem>>) semaphore(%arg16 : memref<!tpu.dma_semaphore, #tpu.memory_space<semaphore_mem>>)
      %dma_wait3A_707 = arith.constant 144 : i32
      %dma_wait3A_708 = tpu.memref_slice %arg8[%dma_wait3A_707] : memref<192xi32, #tpu.memory_space<vmem>> -> memref<24xi32, #tpu.memory_space<vmem>>
      %dma_wait3A_709 = arith.constant 0 : i32
      %dma_wait3A_710 = arith.constant 0 : i32
      %dma_wait3A_711 = tpu.memref_slice %arg13[%dma_wait3A_709, %dma_wait3A_710] : memref<5128x128xf32, #tpu.memory_space<vmem_shared>> -> memref<5128x128xf32, #tpu.memory_space<vmem_shared>>
      tpu.wait_indirect_dma semaphore(%arg15 : memref<!tpu.dma_semaphore, #tpu.memory_space<semaphore_mem>>) src(%dma_wait3A_711 : memref<5128x128xf32, #tpu.memory_space<vmem_shared>>) dst(%arg11 : memref<24x128xf32, #tpu.memory_space<vmem>>)
      %run_scoped3A_712 = arith.constant 6 : i32
      "tpu.region"() ({
        %run_scoped3A_726 = tpu.sem_alloc : memref<!tpu.dma_semaphore, #tpu.memory_space<semaphore_mem>>
        %dma_start3A_727 = arith.constant 0 : i32
        %dma_start3A_728 = tpu.memref_slice %arg10[%run_scoped3A_712, %dma_start3A_727] : memref<8x24xi32, #tpu.memory_space<vmem>> -> memref<1x24xi32, #tpu.memory_space<vmem>>
        %dma_start3A_729 = tpu.memref_squeeze %dma_start3A_728 : memref<1x24xi32, #tpu.memory_space<vmem>> -> memref<24xi32, #tpu.memory_space<vmem>>
        %dma_start3A_730 = arith.constant 0 : i32
        %dma_start3A_731 = arith.constant 0 : i32
        %dma_start3A_732 = tpu.memref_slice %arg14[%dma_start3A_730, %dma_start3A_731] : memref<10112x128xf32, #tpu.memory_space<vmem_shared>> -> memref<10112x128xf32, #tpu.memory_space<vmem_shared>>
        tpu.enqueue_indirect_dma source(%arg11 : memref<24x128xf32, #tpu.memory_space<vmem>>) target(%dma_start3A_732 : memref<10112x128xf32, #tpu.memory_space<vmem_shared>>) offsets(%dma_start3A_729 : memref<24xi32, #tpu.memory_space<vmem>>) semaphore(%run_scoped3A_726 : memref<!tpu.dma_semaphore, #tpu.memory_space<semaphore_mem>>) {add = true}
        %dma_wait3A_733 = arith.constant 0 : i32
        %dma_wait3A_734 = tpu.memref_slice %arg10[%run_scoped3A_712, %dma_wait3A_733] : memref<8x24xi32, #tpu.memory_space<vmem>> -> memref<1x24xi32, #tpu.memory_space<vmem>>
        %dma_wait3A_735 = tpu.memref_squeeze %dma_wait3A_734 : memref<1x24xi32, #tpu.memory_space<vmem>> -> memref<24xi32, #tpu.memory_space<vmem>>
        %dma_wait3A_736 = arith.constant 0 : i32
        %dma_wait3A_737 = arith.constant 0 : i32
        %dma_wait3A_738 = tpu.memref_slice %arg14[%dma_wait3A_736, %dma_wait3A_737] : memref<10112x128xf32, #tpu.memory_space<vmem_shared>> -> memref<10112x128xf32, #tpu.memory_space<vmem_shared>>
        tpu.wait_indirect_dma semaphore(%run_scoped3A_726 : memref<!tpu.dma_semaphore, #tpu.memory_space<semaphore_mem>>) src(%arg11 : memref<24x128xf32, #tpu.memory_space<vmem>>) dst(%dma_wait3A_738 : memref<10112x128xf32, #tpu.memory_space<vmem_shared>>)
        tpu.yield
      }) : () -> ()
      %dma_wait3A_713 = arith.constant 168 : i32
      %dma_wait3A_714 = tpu.memref_slice %arg8[%dma_wait3A_713] : memref<192xi32, #tpu.memory_space<vmem>> -> memref<24xi32, #tpu.memory_space<vmem>>
      %dma_wait3A_715 = arith.constant 0 : i32
      %dma_wait3A_716 = arith.constant 0 : i32
      %dma_wait3A_717 = tpu.memref_slice %arg13[%dma_wait3A_715, %dma_wait3A_716] : memref<5128x128xf32, #tpu.memory_space<vmem_shared>> -> memref<5128x128xf32, #tpu.memory_space<vmem_shared>>
      tpu.wait_indirect_dma semaphore(%arg16 : memref<!tpu.dma_semaphore, #tpu.memory_space<semaphore_mem>>) src(%dma_wait3A_717 : memref<5128x128xf32, #tpu.memory_space<vmem_shared>>) dst(%arg12 : memref<24x128xf32, #tpu.memory_space<vmem>>)
      %run_scoped3A_718 = arith.constant 7 : i32
      "tpu.region"() ({
        %run_scoped3A_726 = tpu.sem_alloc : memref<!tpu.dma_semaphore, #tpu.memory_space<semaphore_mem>>
        %dma_start3A_727 = arith.constant 0 : i32
        %dma_start3A_728 = tpu.memref_slice %arg10[%run_scoped3A_718, %dma_start3A_727] : memref<8x24xi32, #tpu.memory_space<vmem>> -> memref<1x24xi32, #tpu.memory_space<vmem>>
        %dma_start3A_729 = tpu.memref_squeeze %dma_start3A_728 : memref<1x24xi32, #tpu.memory_space<vmem>> -> memref<24xi32, #tpu.memory_space<vmem>>
        %dma_start3A_730 = arith.constant 0 : i32
        %dma_start3A_731 = arith.constant 0 : i32
        %dma_start3A_732 = tpu.memref_slice %arg14[%dma_start3A_730, %dma_start3A_731] : memref<10112x128xf32, #tpu.memory_space<vmem_shared>> -> memref<10112x128xf32, #tpu.memory_space<vmem_shared>>
        tpu.enqueue_indirect_dma source(%arg12 : memref<24x128xf32, #tpu.memory_space<vmem>>) target(%dma_start3A_732 : memref<10112x128xf32, #tpu.memory_space<vmem_shared>>) offsets(%dma_start3A_729 : memref<24xi32, #tpu.memory_space<vmem>>) semaphore(%run_scoped3A_726 : memref<!tpu.dma_semaphore, #tpu.memory_space<semaphore_mem>>) {add = true}
        %dma_wait3A_733 = arith.constant 0 : i32
        %dma_wait3A_734 = tpu.memref_slice %arg10[%run_scoped3A_718, %dma_wait3A_733] : memref<8x24xi32, #tpu.memory_space<vmem>> -> memref<1x24xi32, #tpu.memory_space<vmem>>
        %dma_wait3A_735 = tpu.memref_squeeze %dma_wait3A_734 : memref<1x24xi32, #tpu.memory_space<vmem>> -> memref<24xi32, #tpu.memory_space<vmem>>
        %dma_wait3A_736 = arith.constant 0 : i32
        %dma_wait3A_737 = arith.constant 0 : i32
        %dma_wait3A_738 = tpu.memref_slice %arg14[%dma_wait3A_736, %dma_wait3A_737] : memref<10112x128xf32, #tpu.memory_space<vmem_shared>> -> memref<10112x128xf32, #tpu.memory_space<vmem_shared>>
        tpu.wait_indirect_dma semaphore(%run_scoped3A_726 : memref<!tpu.dma_semaphore, #tpu.memory_space<semaphore_mem>>) src(%arg12 : memref<24x128xf32, #tpu.memory_space<vmem>>) dst(%dma_wait3A_738 : memref<10112x128xf32, #tpu.memory_space<vmem_shared>>)
        tpu.yield
      }) : () -> ()
      %add3A_719 = arith.constant 2 : i32
      %add3A_720 = arith.addi %add3A_387, %add3A_719 : i32
      %lt3A_721 = arith.constant 108 : i32
      %lt3A_722 = arith.cmpi slt, %add3A_720, %lt3A_721 : i32
      %convert_element_type3A_723 = arith.extui %lt3A_722 : i1 to i32
      %cond3A_724 = arith.constant 0 : i32
      %cond3A_725 = arith.cmpi ne, %convert_element_type3A_723, %cond3A_724 : i32
      scf.if %cond3A_725 {
        %add3A_726 = arith.constant 2 : i32
        %add3A_727 = arith.addi %add3A_387, %add3A_726 : i32
        %dma_start3A_728 = arith.constant 0 : i32
        %dma_start3A_729 = arith.constant 0 : i32
        %dma_start3A_730 = tpu.memref_slice %arg3[%arg1, %add3A_727, %dma_start3A_728, %dma_start3A_729] : memref<16x108x1x192xi32, #tpu.memory_space<hbm>> -> memref<1x1x1x192xi32, #tpu.memory_space<hbm>>
        %dma_start3A_731 = tpu.memref_squeeze %dma_start3A_730 : memref<1x1x1x192xi32, #tpu.memory_space<hbm>> -> memref<192xi32, #tpu.memory_space<hbm>>
        %dma_start3A_732 = arith.constant 0 : i32
        %dma_start3A_733 = tpu.memref_slice %arg3[%arg1, %add3A_727, %dma_start3A_728, %dma_start3A_732] : memref<16x108x1x192xi32, #tpu.memory_space<hbm>> -> memref<1x1x1x192xi32, #tpu.memory_space<hbm>>
        %dma_start3A_734 = tpu.memref_squeeze %dma_start3A_733 : memref<1x1x1x192xi32, #tpu.memory_space<hbm>> -> memref<192xi32, #tpu.memory_space<hbm>>
        tpu.enqueue_dma source(%dma_start3A_734 : memref<192xi32, #tpu.memory_space<hbm>>) target(%arg8 : memref<192xi32, #tpu.memory_space<vmem>>) target_semaphore(%arg18 : memref<!tpu.dma_semaphore, #tpu.memory_space<semaphore_mem>>)
        %dma_start3A_735 = arith.constant 0 : i32
        %dma_start3A_736 = arith.constant 0 : i32
        %dma_start3A_737 = tpu.memref_slice %arg4[%arg1, %add3A_727, %dma_start3A_735, %dma_start3A_736] : memref<16x108x8x24xi32, #tpu.memory_space<hbm>> -> memref<1x1x8x24xi32, #tpu.memory_space<hbm>>
        %dma_start3A_738 = tpu.memref_squeeze %dma_start3A_737 : memref<1x1x8x24xi32, #tpu.memory_space<hbm>> -> memref<8x24xi32, #tpu.memory_space<hbm>>
        %dma_start3A_739 = arith.constant 0 : i32
        %dma_start3A_740 = arith.constant 0 : i32
        %dma_start3A_741 = tpu.memref_slice %arg4[%arg1, %add3A_727, %dma_start3A_739, %dma_start3A_740] : memref<16x108x8x24xi32, #tpu.memory_space<hbm>> -> memref<1x1x8x24xi32, #tpu.memory_space<hbm>>
        %dma_start3A_742 = tpu.memref_squeeze %dma_start3A_741 : memref<1x1x8x24xi32, #tpu.memory_space<hbm>> -> memref<8x24xi32, #tpu.memory_space<hbm>>
        tpu.enqueue_dma source(%dma_start3A_742 : memref<8x24xi32, #tpu.memory_space<hbm>>) target(%arg10 : memref<8x24xi32, #tpu.memory_space<vmem>>) target_semaphore(%arg20 : memref<!tpu.dma_semaphore, #tpu.memory_space<semaphore_mem>>)
      } else {
      }
    }
    %scan3A_46 = arith.constant 54 : i32
    %barrier3A_47 = arith.constant 0 : index
    tpu.barrier barrier_id(%barrier3A_47)
    %mul3A_48 = arith.constant 632 : i32
    %mul3A_49 = arith.muli %arg1, %mul3A_48 : i32
    %mul3A_50 = arith.constant 632 : i32
    %mul3A_51 = arith.muli %arg1, %mul3A_50 : i32
    "tpu.region"() ({
      %run_scoped3A = tpu.sem_alloc : memref<!tpu.dma_semaphore, #tpu.memory_space<semaphore_mem>>
      %dma_start3A_52 = arith.constant 0 : i32
      %dma_start3A_53 = tpu.memref_slice %arg6[%arg0, %mul3A_51, %dma_start3A_52] : memref<2x10112x128xf32, #tpu.memory_space<hbm>> -> memref<1x632x128xf32, #tpu.memory_space<hbm>>
      %dma_start3A_54 = tpu.memref_squeeze %dma_start3A_53 : memref<1x632x128xf32, #tpu.memory_space<hbm>> -> memref<632x128xf32, #tpu.memory_space<hbm>>
      %dma_start3A_55 = arith.constant 0 : i32
      %dma_start3A_56 = tpu.memref_slice %arg14[%mul3A_49, %dma_start3A_55] : memref<10112x128xf32, #tpu.memory_space<vmem_shared>> -> memref<632x128xf32, #tpu.memory_space<vmem_shared>>
      tpu.enqueue_dma source(%dma_start3A_56 : memref<632x128xf32, #tpu.memory_space<vmem_shared>>) target(%dma_start3A_54 : memref<632x128xf32, #tpu.memory_space<hbm>>) target_semaphore(%run_scoped3A : memref<!tpu.dma_semaphore, #tpu.memory_space<semaphore_mem>>)
      %dma_wait3A = arith.constant 0 : i32
      %dma_wait3A_57 = tpu.memref_slice %arg6[%arg0, %mul3A_51, %dma_wait3A] : memref<2x10112x128xf32, #tpu.memory_space<hbm>> -> memref<1x632x128xf32, #tpu.memory_space<hbm>>
      %dma_wait3A_58 = tpu.memref_squeeze %dma_wait3A_57 : memref<1x632x128xf32, #tpu.memory_space<hbm>> -> memref<632x128xf32, #tpu.memory_space<hbm>>
      %dma_wait3A_59 = arith.constant 0 : i32
      %dma_wait3A_60 = tpu.memref_slice %arg14[%mul3A_49, %dma_wait3A_59] : memref<10112x128xf32, #tpu.memory_space<vmem_shared>> -> memref<632x128xf32, #tpu.memory_space<vmem_shared>>
      tpu.wait_dma2 semaphore(%run_scoped3A : memref<!tpu.dma_semaphore, #tpu.memory_space<semaphore_mem>>) src(%dma_wait3A_60 : memref<632x128xf32, #tpu.memory_space<vmem_shared>>) dst(%dma_wait3A_58 : memref<632x128xf32, #tpu.memory_space<hbm>>)
      tpu.yield
    }) : () -> ()
    return
  }
}

module attributes {stable_mosaic.version = 14 : i64} {
  func.func @body(%arg0: memref<10000x128xf32, #tpu.memory_space<vmem>>, %arg1: memref<2x10000x128xf32, #tpu.memory_space<vmem>>, %arg2: memref<10000x1xi32, #tpu.memory_space<vmem>>, %arg3: memref<128x128xf32, #tpu.memory_space<vmem>>, %arg4: memref<128x128xf32, #tpu.memory_space<vmem>>, %arg5: memref<1x128xf32, #tpu.memory_space<vmem>>, %arg6: memref<256x10xf32, #tpu.memory_space<vmem>>, %arg7: memref<1x10xf32, #tpu.memory_space<vmem>>, %arg8: memref<10000x10xf32, #tpu.memory_space<vmem>>, %arg9: memref<1x1xf32, #tpu.memory_space<vmem>>) attributes {dimension_semantics = [], scalar_prefetch = 0 : i64, scratch_operands = 0 : i64, tpu.core_type = #tpu.core_type<tc>} {
    %get3A = arith.constant 0 : index
    %get3A_0 = arith.constant 0 : index
    %get3A_1 = vector.load %arg0[%get3A, %get3A_0] : memref<10000x128xf32, #tpu.memory_space<vmem>>, vector<10000x128xf32>
    %get3A_2 = arith.constant 0 : index
    %get3A_3 = arith.constant 0 : index
    %get3A_4 = arith.constant 0 : index
    %get3A_5 = vector.load %arg1[%get3A_2, %get3A_3, %get3A_4] : memref<2x10000x128xf32, #tpu.memory_space<vmem>>, vector<1x10000x128xf32>
    %get3A_6 = vector.shape_cast %get3A_5 : vector<1x10000x128xf32> to vector<10000x128xf32>
    %get3A_7 = arith.constant 1 : index
    %get3A_8 = arith.constant 0 : index
    %get3A_9 = arith.constant 0 : index
    %get3A_10 = vector.load %arg1[%get3A_7, %get3A_8, %get3A_9] : memref<2x10000x128xf32, #tpu.memory_space<vmem>>, vector<1x10000x128xf32>
    %get3A_11 = vector.shape_cast %get3A_10 : vector<1x10000x128xf32> to vector<10000x128xf32>
    %add3A = arith.addf %get3A_6, %get3A_11 : vector<10000x128xf32>
    %get3A_12 = arith.constant 0 : index
    %get3A_13 = arith.constant 0 : index
    %get3A_14 = vector.load %arg3[%get3A_12, %get3A_13] : memref<128x128xf32, #tpu.memory_space<vmem>>, vector<128x128xf32>
    %dot_general3A = arith.constant dense<0.000000e+00> : vector<10000x128xf32>
    %dot_general3A_15 = tpu.matmul %get3A_1, %get3A_14, %dot_general3A {dimension_numbers = #tpu.dot_dimension_numbers<[1], [0], [0], [1], [0, 0, 1, 1], [], []>, transpose_lhs_hint = false} : vector<10000x128xf32>, vector<128x128xf32>, vector<10000x128xf32> -> vector<10000x128xf32>
    %get3A_16 = arith.constant 0 : index
    %get3A_17 = arith.constant 0 : index
    %get3A_18 = vector.load %arg4[%get3A_16, %get3A_17] : memref<128x128xf32, #tpu.memory_space<vmem>>, vector<128x128xf32>
    %dot_general3A_19 = arith.constant dense<0.000000e+00> : vector<10000x128xf32>
    %dot_general3A_20 = tpu.matmul %add3A, %get3A_18, %dot_general3A_19 {dimension_numbers = #tpu.dot_dimension_numbers<[1], [0], [0], [1], [0, 0, 1, 1], [], []>, transpose_lhs_hint = false} : vector<10000x128xf32>, vector<128x128xf32>, vector<10000x128xf32> -> vector<10000x128xf32>
    %add3A_21 = arith.addf %dot_general3A_15, %dot_general3A_20 : vector<10000x128xf32>
    %get3A_22 = arith.constant 0 : index
    %get3A_23 = arith.constant 0 : index
    %get3A_24 = vector.load %arg5[%get3A_22, %get3A_23] : memref<1x128xf32, #tpu.memory_space<vmem>>, vector<1x128xf32>
    %add3A_25 = vector.broadcast %get3A_24 : vector<1x128xf32> to vector<10000x128xf32>
    %add3A_26 = arith.addf %add3A_21, %add3A_25 : vector<10000x128xf32>
    %max3A = arith.constant 0.000000e+00 : f32
    %max3A_27 = vector.broadcast %max3A : f32 to vector<10000x128xf32>
    %max3A_28 = arith.maximumf %add3A_26, %max3A_27 : vector<10000x128xf32>
    %get3A_29 = arith.constant 0 : index
    %get3A_30 = arith.constant 0 : index
    %get3A_31 = vector.load %arg6[%get3A_29, %get3A_30] : memref<256x10xf32, #tpu.memory_space<vmem>>, vector<256x10xf32>
    %slice3A = vector.extract_strided_slice %get3A_31 {offsets = [0, 0], sizes = [128, 10], strides = [1, 1]} : vector<256x10xf32> to vector<128x10xf32>
    %dot_general3A_32 = arith.constant dense<0.000000e+00> : vector<10000x10xf32>
    %dot_general3A_33 = tpu.matmul %get3A_1, %slice3A, %dot_general3A_32 {dimension_numbers = #tpu.dot_dimension_numbers<[1], [0], [0], [1], [0, 0, 1, 1], [], []>, transpose_lhs_hint = false} : vector<10000x128xf32>, vector<128x10xf32>, vector<10000x10xf32> -> vector<10000x10xf32>
    %slice3A_34 = vector.extract_strided_slice %get3A_31 {offsets = [128, 0], sizes = [128, 10], strides = [1, 1]} : vector<256x10xf32> to vector<128x10xf32>
    %dot_general3A_35 = arith.constant dense<0.000000e+00> : vector<10000x10xf32>
    %dot_general3A_36 = tpu.matmul %max3A_28, %slice3A_34, %dot_general3A_35 {dimension_numbers = #tpu.dot_dimension_numbers<[1], [0], [0], [1], [0, 0, 1, 1], [], []>, transpose_lhs_hint = false} : vector<10000x128xf32>, vector<128x10xf32>, vector<10000x10xf32> -> vector<10000x10xf32>
    %add3A_37 = arith.addf %dot_general3A_33, %dot_general3A_36 : vector<10000x10xf32>
    %get3A_38 = arith.constant 0 : index
    %get3A_39 = arith.constant 0 : index
    %get3A_40 = vector.load %arg7[%get3A_38, %get3A_39] : memref<1x10xf32, #tpu.memory_space<vmem>>, vector<1x10xf32>
    %add3A_41 = vector.broadcast %get3A_40 : vector<1x10xf32> to vector<10000x10xf32>
    %add3A_42 = arith.addf %add3A_37, %add3A_41 : vector<10000x10xf32>
    %swap3A = arith.constant 0 : index
    %swap3A_43 = arith.constant 0 : index
    %swap3A_44 = vector.load %arg8[%swap3A, %swap3A_43] : memref<10000x10xf32, #tpu.memory_space<vmem>>, vector<10000x10xf32>
    tpu.vector_store %arg8[%swap3A, %swap3A_43], %add3A_42 {strides = array<i32>} : memref<10000x10xf32, #tpu.memory_space<vmem>>, vector<10000x10xf32>,
    %reduce_max3A = arith.constant dense<0xFF800000> : vector<10000xf32>
    %reduce_max3A_45 = vector.multi_reduction <maximumf>, %add3A_42, %reduce_max3A [1] : vector<10000x10xf32> to vector<10000xf32>
    %broadcast_in_dim3A = vector.shape_cast %reduce_max3A_45 : vector<10000xf32> to vector<10000x1xf32>
    %sub3A = vector.broadcast %broadcast_in_dim3A : vector<10000x1xf32> to vector<10000x10xf32>
    %sub3A_46 = arith.subf %add3A_42, %sub3A : vector<10000x10xf32>
    %exp3A = math.exp %sub3A_46 : vector<10000x10xf32>
    %reduce_sum3A = arith.constant dense<0.000000e+00> : vector<10000xf32>
    %reduce_sum3A_47 = vector.multi_reduction <add>, %exp3A, %reduce_sum3A [1] : vector<10000x10xf32> to vector<10000xf32>
    %broadcast_in_dim3A_48 = vector.shape_cast %reduce_sum3A_47 : vector<10000xf32> to vector<10000x1xf32>
    %log3A = math.log %broadcast_in_dim3A_48 : vector<10000x1xf32>
    %add3A_49 = arith.addf %log3A, %broadcast_in_dim3A : vector<10000x1xf32>
    %iota3A = tpu.iota {dimensions = array<i32: 1>} : vector<10000x10xi32>
    %get3A_50 = arith.constant 0 : index
    %get3A_51 = arith.constant 0 : index
    %get3A_52 = vector.load %arg2[%get3A_50, %get3A_51] : memref<10000x1xi32, #tpu.memory_space<vmem>>, vector<10000x1xi32>
    %eq3A = vector.broadcast %get3A_52 : vector<10000x1xi32> to vector<10000x10xi32>
    %eq3A_53 = arith.cmpi eq, %iota3A, %eq3A : vector<10000x10xi32>
    %jit3A = arith.constant 0.000000e+00 : f32
    %broadcast_in_dim3A_54 = vector.broadcast %jit3A : f32 to vector<10000x10xf32>
    %select_n3A = arith.select %eq3A_53, %add3A_42, %broadcast_in_dim3A_54 : vector<10000x10xi1>, vector<10000x10xf32>
    %reduce_sum3A_55 = arith.constant dense<0.000000e+00> : vector<10000xf32>
    %reduce_sum3A_56 = vector.multi_reduction <add>, %select_n3A, %reduce_sum3A_55 [1] : vector<10000x10xf32> to vector<10000xf32>
    %broadcast_in_dim3A_57 = vector.shape_cast %reduce_sum3A_56 : vector<10000xf32> to vector<10000x1xf32>
    %sub3A_58 = arith.subf %add3A_49, %broadcast_in_dim3A_57 : vector<10000x1xf32>
    %reduce_sum3A_59 = arith.constant dense<0.000000e+00> : vector<1xf32>
    %reduce_sum3A_60 = vector.multi_reduction <add>, %sub3A_58, %reduce_sum3A_59 [0] : vector<10000x1xf32> to vector<1xf32>
    %broadcast_in_dim3A_61 = vector.shape_cast %reduce_sum3A_60 : vector<1xf32> to vector<1x1xf32>
    %div3A = arith.constant 1.000000e+04 : f32
    %div3A_62 = vector.broadcast %div3A : f32 to vector<1x1xf32>
    %div3A_63 = arith.divf %broadcast_in_dim3A_61, %div3A_62 : vector<1x1xf32>
    %swap3A_64 = arith.constant 0 : index
    %swap3A_65 = arith.constant 0 : index
    %swap3A_66 = vector.load %arg9[%swap3A_64, %swap3A_65] : memref<1x1xf32, #tpu.memory_space<vmem>>, vector<1x1xf32>
    tpu.vector_store %arg9[%swap3A_64, %swap3A_65], %div3A_63 {strides = array<i32>} : memref<1x1xf32, #tpu.memory_space<vmem>>, vector<1x1xf32>,
    return
  }
}

</mosaic_0001>

<sc_bundles>
// kernel: kernel.5.cloned.1.call-start
scs
__scs_entry_jumppad:
0x0: {  	(pc) =	sbr.rel $0x88, $3  }
0x1: {  	(tag) =	ssettag $0x0;
	lr =	simm.s32 $0x1  }
0x2: {  	[smem:$0x3F98] =	sst lr;
	_ =	strace $0xD0000000  }
0x3: {  	_ = 	snop  }
0x4: {  	_ = 	snop  }
0x5: {  	_ = 	snop  }
0x6: {  	_ = 	snop  }
0x7: {  	_ = 	snop  }
__scs_overlays_trampoline_lowered:
0x8: {  	[smem:$0x3FA7] =	sst s0  }
0x9: {  	[smem:$0x3FA8] =	sst s1  }
0xa: {  	[smem:$0x3FA9] =	sst s2  }
0xb: {  	[smem:$0x3FAA] =	sst s3  }
0xc: {  	[smem:$0x3FAB] =	sst s4  }
0xd: {  	[smem:$0x3FAC] =	sst s5  }
0xe: {  	[smem:$0x3FAD] =	sst s6  }
0xf: {  	[smem:$0x3FAE] =	sst s7  }
0x10: {  	[smem:$0x3FAF] =	sst s8  }
0x11: {  	[smem:$0x3FB0] =	sst s9;
	s0 =	simm.s32 @!p0 $0x0  }
0x12: {  	s1 =	sld [smem:$0x3F96];
	s0 =	simm.s32 @p0 $0x1  }
0x13: {  	[smem:$0x3FB1] =	sst s0;
	s0 =	simm.s32 @!p1 $0x0  }
0x14: {  	s2 =	sld [smem:$0x3F95];
	s0 =	simm.s32 @p1 $0x1  }
0x15: {  	[smem:$0x3FB2] =	sst s0;
	s0 =	simm.s32 @!p2 $0x0  }
0x16: {  	s3 =	sld [smem:$0x3FDB];
	s0 =	simm.s32 @p2 $0x1  }
0x17: {  	s4 =	simm.s32 $0x1BF5;
	[smem:$0x3FB4] =	sst s0  }
0x18: {  	s0 =	sld [smem:$0x3F97];
	_ =	swait.ge [sflag:s4], $0x0  }
0x19: {  	s7 =	sld [smem:$0x3F98]  }
0x1a: {  	s8 =	sadd.s32 $0xFFFFE003, lr  }
0x1b: {  	s9 =	sadd.s32 $0xFFFFFEF7, lr;
	s5 =	simm.s32 $0xFFFFFFFF;
	p2 =	slt.u32 s8, $0xFFFFF086  }
0x1c: {  	p1 =	slt.u32 s9, $0xF7A;
	s5 =	simm.s32 @!p2 $0x0  }
0x1d: {  	s5 =	simm.s32 @p1 $0x1;
	p0 =	seq.s32 s7, s2  }
0x1e: {  	s7 =	smul.u32 @!p0 $0xF7A, s2;
	p2 =	seq.s32 @!p0 s5, $0x0  }
0x1f: {  	s9 =	smul.u32 $0xF7A, s1;
	s8 =	simm.s32 @!p0 $0x1BF5;
	p2 =	por !p2, p0  }
0x20: {  	[sflag:s8] =	ssyncset.s32 @!p0 $0xFFFFF086;
	s6 =	sadd.s32 @!p0 s3, s7;
	s7 =	simm.s32 @!p0 $0x108  }
0x21: {  	s3 =	sadd.s32 s3, s9;
	s6 =	sadd.s32 @!p0 $0x88, s6;
	s7 =	simm.s32 @p2 $0x1082  }
0x22: {  	[simem:s7], [sflag:s8] =	dma.local @!p0 [hbm:s6], $0xF7A  }
0x23: {  	s9 =	sor.u32 $0xD0000000, s2;
	s6 =	simm.s32 $0x108;
	_ =	swait.ge @!p0 [sflag:s8], $0x0  }
0x24: {  	s3 =	sadd.s32 $0x88, s3;
	s6 =	simm.s32 @!p1 $0x1082;
	[sflag:s4] =	ssyncset.s32 $0xFFFFF086  }
0x25: {  	[simem:s6], [sflag:s4] =	dma.local [hbm:s3], $0xF7A  }
0x26: {  	[smem:$0x3F98] =	sst s1;
	(tag) =	ssettag s2;
	_ =	strace s9  }
0x27: {  	s1 =	sld [smem:$0x3FA8]  }
0x28: {  	s2 =	sld [smem:$0x3FA9]  }
0x29: {  	s4 =	sld [smem:$0x3FAB]  }
0x2a: {  	p0 =	seq.s32 s5, $0x0;
	s5 =	sld [smem:$0x3FAC]  }
0x2b: {  	s6 =	sld [smem:$0x3FAD]  }
0x2c: {  	s7 =	sld [smem:$0x3FAE]  }
0x2d: {  	s3 =	simm.s32 $0x108;
	s8 =	sld [smem:$0x3FAF]  }
0x2e: {  	s3 =	simm.s32 @!p0 $0x1082;
	s9 =	sld [smem:$0x3FB0]  }
0x2f: {  	lr =	sadd.s32 s0, s3;
	s0 =	sld [smem:$0x3FA7]  }
0x30: {  	s3 =	sld [smem:$0x3FAA]  }
0x31: {  	[smem:$0x3FB3] =	sst s10  }
0x32: {  	s10 =	sld [smem:$0x3FB1];
	_ =	sdelay $0x3  }
0x33: {  	p0 =	seq.s32 s10, $0x1;
	s10 =	sld [smem:$0x3FB3];
	_ =	sdelay $0x3  }
0x34: {  	[smem:$0x3FB3] =	sst s10  }
0x35: {  	s10 =	sld [smem:$0x3FB2];
	_ =	sdelay $0x3  }
0x36: {  	p1 =	seq.s32 s10, $0x1;
	s10 =	sld [smem:$0x3FB3];
	_ =	sdelay $0x3  }
0x37: {  	[smem:$0x3FB3] =	sst s10  }
0x38: {  	s10 =	sld [smem:$0x3FB4]  }
0x39: {  	_ = 	snop;
	(pc) =	sbr.ind lr, $3  }
0x3a: {  	_ = 	snop  }
0x3b: {  	_ = 	snop  }
0x3c: {  	p2 =	seq.s32 s10, $0x1;
	s10 =	sld [smem:$0x3FB3]  }
0x3d: {  	_ =	shalt  }
0x3e: {  	_ =	shalt  }
0x3f: {  	_ =	shalt  }
0x40: {  	_ =	shalt  }
0x41: {  	_ =	shalt  }
0x42: {  	_ =	shalt  }
0x43: {  	_ =	shalt  }
0x44: {  	_ =	shalt  }
0x45: {  	_ =	shalt  }
0x46: {  	_ =	shalt  }
0x47: {  	_ =	shalt  }
0x48: {  	_ =	shalt  }
0x49: {  	_ =	shalt  }
0x4a: {  	_ =	shalt  }
0x4b: {  	_ =	shalt  }
0x4c: {  	_ =	shalt  }
0x4d: {  	_ =	shalt  }
0x4e: {  	_ =	shalt  }
0x4f: {  	_ =	shalt  }
0x50: {  	_ =	shalt  }
0x51: {  	_ =	shalt  }
0x52: {  	_ =	shalt  }
0x53: {  	_ =	shalt  }
0x54: {  	_ =	shalt  }
0x55: {  	_ =	shalt  }
0x56: {  	_ =	shalt  }
0x57: {  	_ =	shalt  }
0x58: {  	_ =	shalt  }
0x59: {  	_ =	shalt  }
0x5a: {  	_ =	shalt  }
0x5b: {  	_ =	shalt  }
0x5c: {  	_ =	shalt  }
0x5d: {  	_ =	shalt  }
0x5e: {  	_ =	shalt  }
0x5f: {  	_ =	shalt  }
0x60: {  	_ =	shalt  }
0x61: {  	_ =	shalt  }
0x62: {  	_ =	shalt  }
0x63: {  	_ =	shalt  }
0x64: {  	_ =	shalt  }
0x65: {  	_ =	shalt  }
0x66: {  	_ =	shalt  }
0x67: {  	_ =	shalt  }
0x68: {  	_ =	shalt  }
0x69: {  	_ =	shalt  }
0x6a: {  	_ =	shalt  }
0x6b: {  	_ =	shalt  }
0x6c: {  	_ =	shalt  }
0x6d: {  	_ =	shalt  }
0x6e: {  	_ =	shalt  }
0x6f: {  	_ =	shalt  }
0x70: {  	_ =	shalt  }
0x71: {  	_ =	shalt  }
0x72: {  	_ =	shalt  }
0x73: {  	_ =	shalt  }
0x74: {  	_ =	shalt  }
0x75: {  	_ =	shalt  }
0x76: {  	_ =	shalt  }
0x77: {  	_ =	shalt  }
0x78: {  	_ =	shalt  }
0x79: {  	_ =	shalt  }
0x7a: {  	_ =	shalt  }
0x7b: {  	_ =	shalt  }
0x7c: {  	_ =	shalt  }
0x7d: {  	_ =	shalt  }
0x7e: {  	_ =	shalt  }
0x7f: {  	_ =	shalt  }
0x80: {  	_ =	shalt  }
0x81: {  	_ =	shalt  }
0x82: {  	_ =	shalt  }
0x83: {  	_ =	shalt  }
0x84: {  	_ =	shalt  }
0x85: {  	_ =	shalt  }
0x86: {  	_ =	shalt  }
0x87: {  	_ =	shalt  }
.Lfunc_end0:
.L_simem_size_0:
called_computation_lowered:
.L_overlay_start_0:
0x88: {  	s2 =	sld [smem:$0x3FD9]  }
0x89: {  	s3 =	sld [smem:$0x3FFE];
	_ =	sdelay $0x1  }
0x8a: {  	s1 =	srdreg.scid  }
0x8b: {  	s0 =	sand.u32 $0x1, s1  }
0x8c: {  	s14 =	sshll.u32 s0, $0xA;
	s2 =	sadd.s32 s3, s2  }
0x8d: {  	s2 =	sadd.s32 s2, s14  }
0x8e: {  	[smem:$0x3FBF] =	sst s2  }
0x8f: {  	_ = 	snop  }
0x90: {  	s2 =	sld [smem:$0x3FD0];
	_ =	sdelay $0x2  }
0x91: {  	s4 =	simm.s32 $0xA;
	s5 =	simm.s32 $0x10;
	s15 =	sld [smem:$0x3FC6]  }
0x92: {  	[smem:s5], [sflag:s4] =	dma.local [hbm:s2], $0x1  }
0x93: {  	_ =	swait.eq [sflag:s4], $0x1  }
0x94: {  	[sflag:s4] =	ssyncset.done $0x0  }
0x95: {  	[sflag:s4] =	ssyncadd.s32 $0xFFFFFFFF  }
0x96: {  	s16 =	sld [smem:$0x10];
	(tm) =	ssettm $0x1  }
0x97: {  	s17 =	sld [smem:$0x3FFB];
	_ =	sdelay $0x3  }
0x98: {  	_ =	strace s17  }
0x99: {  	s4 =	sld [smem:$0x3FFC];
	_ =	sdelay $0x3  }
0x9a: {  	_ =	strace s4  }
0x9b: {  	s4 =	sld [smem:$0x3FFD];
	_ =	sdelay $0x3  }
0x9c: {  	_ =	strace s4  }
0x9d: {  	_ =	strace $0x8FFFFFFF  }
0x9e: {  	s18 =	sld [smem:$0x3FDB];
	_ =	sdelay $0x1  }
0x9f: {  	s19 =	simm.s32 $_scs_section_size  }
0xa0: {  	s6 =	simm.s32 $_size__tile_overlayer_lowered;
	s7 =	simm.s32 $_tile_overlayer_lowered  }
0xa1: {  	s22 =	simm.s32 $0x1BFF;
	s21 =	sshll.u32 s7, $0x1;
	s4 =	sadd.s32 s19, s18  }
0xa2: {  	s8 =	simm.s32 $0x0;
	s20 =	sshll.u32 s6, $0x1;
	s6 =	sadd.s32 s21, s4  }
0xa3: {  	[timem:s8], [sflag:s22] =	dma.local [hbm:s6], s20  }
0xa4: {  	_ =	swait.ge [sflag:s22], s20  }
0xa5: {  	s5 =	ssub.s32 $0x0, s20;
	[sflag:s22] =	ssyncset.done $0x0  }
0xa6: {  	[sflag:s22] =	ssyncadd.s32 s5;
	_ =	sdelay $0x1  }
0xa7: {  	s23 =	simm.s32 $0x1B8B  }
0xa8: {  	_ =	swait.ge [sflag:s23], $0x1  }
0xa9: {  	[sflag:s23] =	ssyncset.done $0x0  }
0xaa: {  	s25 =	simm.s32 $0x1B8E;
	s24 =	sld [smem:$0x3FFE];
	[sflag:s23] =	ssyncadd.s32 $0xFFFFFFFF  }
0xab: {  	s26 =	simm.s32 $execute0_lowered;
	[smem:$0x3FD2] =	sst s25  }
0xac: {  	s6 =	sshll.u32 s26, $0x1;
	_ =	strace $0x80000046;
	[dreg:$0x1] =	wrdreg $0xFFFFFFFF  }
0xad: {  	s28 =	simm.s32 $_size_execute0_lowered;
	s4 =	sadd.s32 s4, s6;
	[dreg:$0x0] =	wrdreg $0x0  }
0xae: {  	s6 =	sshll.u32 s28, $0x1;
	[dreg:$0x2] =	wrdreg s4  }
0xaf: {  	[dreg:$0x3] =	wrdreg s6  }
0xb0: {  	[dreg:$0x4] =	wrdreg $0xC0  }
0xb1: {  	_ =	task [dreg:s8], $0x5FFFF  }
0xb2: {  	[dreg:$0x1] =	wrdreg $0xFFFFFFFF  }
0xb3: {  	[dreg:$0x0] =	wrdreg $0x60  }
0xb4: {  	[dreg:$0x2] =	wrdreg s16  }
0xb5: {  	[dreg:$0x3] =	wrdreg s15  }
0xb6: {  	[dreg:$0x4] =	wrdreg s24  }
0xb7: {  	[dreg:$0x5] =	wrdreg $0x9  }
0xb8: {  	_ =	task.clear_ibuf [dreg:s8], $0x6FFFF;
	_ =	strace $0x90000046  }
0xb9: {  	s29 =	simm.s32 $0x9;
	_ =	strace $0x80000048  }
0xba: {  	_ =	swait.ge [sflag:s29], $0x1  }
0xbb: {  	[sflag:s29] =	ssyncadd.s32 $0xFFFFFFFF  }
0xbc: {  	_ =	strace $0x90000048  }
0xbd: {  	_ =	sfence  }
0xbe: {  	s30 =	sld [smem:$0x0];
	_ =	sdelay $0x2  }
0xbf: {  	s31 =	sshll.u32 s1, $0xD;
	s1 =	sshrl.u32 s1, $0x2  }
0xc0: {  	s3 =	sand.u32 $0x4000, s31;
	s1 =	sadd.s32 s1, s30  }
0xc1: {  	s0 =	sor.u32 s3, s0;
	s1 =	sshll.u32 s1, $0x11  }
0xc2: {  	s0 =	sor.u32 s1, s0  }
0xc3: {  	s0 =	sadd.s32 $0x8F2B, s0  }
0xc4: {  	[sflag:s0] =	ssyncadd.remote.s32 $0x1  }
0xc5: {  	_ =	sfence.sel $0xFFFF  }
0xc6: {  	[dreg:$0x0] =	wrdreg $0xFFFFFFFF;
	(pc) =	sbr.abs _section_cstart, $3  }
0xc7: {  	[dreg:$0x1] =	wrdreg $0xFFFFFFFF  }
0xc8: {  	_ =	task.clear_ibuf [dreg:s8], $0x2FFFF;
	_ =	strace $0x9FFFFFFF  }
0xc9: {  	(tm) =	ssettm $0x7FFFFFFF  }
tec
execute0_lowered:
.L_overlay_start_1:
0x0: {  	(tag) =	ssettag $0x1  }
0x1: {  	s4 =	rddreg [dreg:$0x0]  }
0x2: {  	s1 =	srdreg.scid;
	s0 =	stileid.u32  }
0x3: {  	s2 =	rddreg [dreg:$0x1];
	s6 =	sand.u32 $0x1, s1;
	s30 =	sshll.u32 s0, $0x1  }
0x4: {  	s9 =	rddreg [dreg:$0x2];
	s3 =	simm.s32 $0x0;
	s7 =	sor.u32 s6, s30  }
0x5: {  	s8 =	simm.s32 $0x1;
	[smem:$0x7FF] =	sst s3;
	s5 =	smul.u32 $0x28, s7  }
0x6: {  	s1 =	rddreg [dreg:$0x3];
	_ =	strace $0x80000047;
	s11 =	ssub.s32 $0x2, s6  }
0x7: {  	s6 =	simm.s32 $0x140;
	s5 =	sadd.s32 s4, s5;
	s4 =	simm.s32 $0x2  }
0x8: {  	[tilespmem:s3], [sflag:$0x2] =	stream.linear.gather [hbm4b:s5+s3], $0x140, $0x38;
	[tilespmem:$0xA180] =	vst v63  }
0x9: {  	s10 =	smul.u32 $0x1400, s7;
	s12 =	sshrl.u32 s11, $0x1;
	_ =	swait.ge [sflag:s4], $0x140  }
0xa: {  	s7 =	simm.s32 $0x180;
	s31 =	ssub.s32 s11, s12;
	[sflag:s4] =	ssyncset.done $0x0  }
0xb: {  	s9 =	sadd.s32 s10, s9;
	s10 =	smax.u32 s31, $0x1;
	[sflag:s4] =	ssyncadd.s32 $0xFFFFFEC0  }
0xc: {  	[tilespmem:s7], [sflag:$0x1] =	stream.indirect.gather [hbm4b:s2+s6], $0x80, s3, s6, $0xb8;
	[tilespmem:$0xA180] =	vst v63  }
0xd: {  	p0 =	sne.s32 s10, $0x1;
	_ =	swait.ge [sflag:s8], $0xA000  }
.Ltmp0:
0xe: {  	[sflag:s8] =	ssyncset.done $0x0;
	(pc) =	sbr.rel @!p0 .LBB2_2-.Ltmp0, $4  }
0xf: {  	s9 =	sadd.s32 $0x1800, s9;
	[sflag:s8] =	ssyncadd.s32 $0xFFFF6000  }
0x10: {  	[hbm4b:s9+s3] =	stream.linear.scatter [tilespmem:s7], [sflag:$0x2], $0xA000, $0x38;
	[tilespmem:$0xA180] =	vst v63  }
0x11: {  	_ =	swait.ge [sflag:s4], $0xA000  }
0x12: {  	s10 =	sadd.s32 $0xFFFFFFFF, s10;
	[sflag:s4] =	ssyncset.done $0x0  }
.LBB2_1:
0x13: {  	p0 =	sne.s32 s10, $0x1;
	s10 =	sadd.s32 $0xFFFFFFFF, s10;
	[sflag:s4] =	ssyncadd.s32 $0xFFFF6000  }
0x14: {  	[tilespmem:s3], [sflag:$0x2] =	stream.linear.gather [hbm4b:s5+s3], $0x140, $0x38;
	[tilespmem:$0xA180] =	vst v63  }
0x15: {  	_ =	swait.ge [sflag:s4], $0x140  }
0x16: {  	[sflag:s4] =	ssyncset.done $0x0  }
0x17: {  	[sflag:s4] =	ssyncadd.s32 $0xFFFFFEC0  }
0x18: {  	[tilespmem:s7], [sflag:$0x1] =	stream.indirect.gather [hbm4b:s2+s6], $0x80, s3, s6, $0xb8;
	[tilespmem:$0xA180] =	vst v63  }
0x19: {  	_ =	swait.ge [sflag:s8], $0xA000  }
.Ltmp1:
0x1a: {  	[sflag:s8] =	ssyncset.done $0x0;
	(pc) =	sbr.rel @p0 .LBB2_1-.Ltmp1, $4  }
0x1b: {  	[sflag:s8] =	ssyncadd.s32 $0xFFFF6000  }
0x1c: {  	[hbm4b:s9+s3] =	stream.linear.scatter [tilespmem:s7], [sflag:$0x2], $0xA000, $0x38;
	[tilespmem:$0xA180] =	vst v63  }
0x1d: {  	_ =	swait.ge [sflag:s4], $0xA000  }
0x1e: {  	[sflag:s4] =	ssyncset.done $0x0  }
.LBB2_2:
0x1f: {  	[sflag:s4] =	ssyncadd.s32 $0xFFFF6000  }
0x20: {  	_ =	sfence.sel $0x180000  }
0x21: {  	[bflag:$0x0] =	sbarrier.arrive $0xFFFF  }
0x22: {  	p0 =	sne.s32 s0, $0x0;
	_ =	strace $0x90000047  }
0x23: {  	s0 =	sadd.s32 @!p0 $0x100000, s1;
	[bflag:$0x2] =	sbarrier.arrive $0xFFFF  }
0x24: {  	[sflag:s0] =	ssyncadd.tile.s32 @!p0 $0x1;
	_ =	shalt  }
.Lfunc_end2:
_tile_overlayer_lowered:
.L_overlay_start_2:
0x25: {  	(tag) =	ssettag $0x2  }
0x26: {  	s0 =	rddreg [dreg:$0x0];
	s2 =	stileid.u32  }
0x27: {  	s1 =	rddreg [dreg:$0x1];
	p0 =	sne.s32 s2, $0x0  }
0x28: {  	s3 =	rddreg [dreg:$0x2];
	[bflag:$0x3] =	sbarrier.arrive $0xFFFF;
	s2 =	simm.s32 @!p0 $0x1C02  }
0x29: {  	[timem:s3], [sflag:s2] =	dma.local @!p0 [hbm:s0], s1  }
0x2a: {  	s0 =	simm.s32 @!p0 $0x2  }
0x2b: {  	_ =	swait.ge @!p0 [sflag:s0], s1  }
0x2c: {  	s1 =	ssub.s32 @!p0 $0x0, s1;
	[sflag:s0] =	ssyncset.done @!p0 $0x0  }
0x2d: {  	[sflag:s0] =	ssyncadd.s32 @!p0 s1  }
0x2e: {  	[bflag:$0x3] =	sbarrier.arrive $0xFFFF  }
0x2f: {  	_ =	shalt  }

// kernel: kernel.8.cloned.1.call-start
scs
__scs_entry_jumppad:
0x0: {  	(pc) =	sbr.rel $0x88, $3  }
0x1: {  	(tag) =	ssettag $0x0;
	lr =	simm.s32 $0x1  }
0x2: {  	[smem:$0x3F98] =	sst lr;
	_ =	strace $0xD0000000  }
0x3: {  	_ = 	snop  }
0x4: {  	_ = 	snop  }
0x5: {  	_ = 	snop  }
0x6: {  	_ = 	snop  }
0x7: {  	_ = 	snop  }
__scs_overlays_trampoline_lowered:
0x8: {  	[smem:$0x3FA7] =	sst s0  }
0x9: {  	[smem:$0x3FA8] =	sst s1  }
0xa: {  	[smem:$0x3FA9] =	sst s2  }
0xb: {  	[smem:$0x3FAA] =	sst s3  }
0xc: {  	[smem:$0x3FAB] =	sst s4  }
0xd: {  	[smem:$0x3FAC] =	sst s5  }
0xe: {  	[smem:$0x3FAD] =	sst s6  }
0xf: {  	[smem:$0x3FAE] =	sst s7  }
0x10: {  	[smem:$0x3FAF] =	sst s8  }
0x11: {  	[smem:$0x3FB0] =	sst s9;
	s0 =	simm.s32 @!p0 $0x0  }
0x12: {  	s1 =	sld [smem:$0x3F96];
	s0 =	simm.s32 @p0 $0x1  }
0x13: {  	[smem:$0x3FB1] =	sst s0;
	s0 =	simm.s32 @!p1 $0x0  }
0x14: {  	s2 =	sld [smem:$0x3F95];
	s0 =	simm.s32 @p1 $0x1  }
0x15: {  	[smem:$0x3FB2] =	sst s0;
	s0 =	simm.s32 @!p2 $0x0  }
0x16: {  	s3 =	sld [smem:$0x3FDB];
	s0 =	simm.s32 @p2 $0x1  }
0x17: {  	s4 =	simm.s32 $0x1BF5;
	[smem:$0x3FB4] =	sst s0  }
0x18: {  	s0 =	sld [smem:$0x3F97];
	_ =	swait.ge [sflag:s4], $0x0  }
0x19: {  	s7 =	sld [smem:$0x3F98]  }
0x1a: {  	s8 =	sadd.s32 $0xFFFFE003, lr  }
0x1b: {  	s9 =	sadd.s32 $0xFFFFFEF7, lr;
	s5 =	simm.s32 $0xFFFFFFFF;
	p2 =	slt.u32 s8, $0xFFFFF086  }
0x1c: {  	p1 =	slt.u32 s9, $0xF7A;
	s5 =	simm.s32 @!p2 $0x0  }
0x1d: {  	s5 =	simm.s32 @p1 $0x1;
	p0 =	seq.s32 s7, s2  }
0x1e: {  	s7 =	smul.u32 @!p0 $0xF7A, s2;
	p2 =	seq.s32 @!p0 s5, $0x0  }
0x1f: {  	s9 =	smul.u32 $0xF7A, s1;
	s8 =	simm.s32 @!p0 $0x1BF5;
	p2 =	por !p2, p0  }
0x20: {  	[sflag:s8] =	ssyncset.s32 @!p0 $0xFFFFF086;
	s6 =	sadd.s32 @!p0 s3, s7;
	s7 =	simm.s32 @!p0 $0x108  }
0x21: {  	s3 =	sadd.s32 s3, s9;
	s6 =	sadd.s32 @!p0 $0x88, s6;
	s7 =	simm.s32 @p2 $0x1082  }
0x22: {  	[simem:s7], [sflag:s8] =	dma.local @!p0 [hbm:s6], $0xF7A  }
0x23: {  	s9 =	sor.u32 $0xD0000000, s2;
	s6 =	simm.s32 $0x108;
	_ =	swait.ge @!p0 [sflag:s8], $0x0  }
0x24: {  	s3 =	sadd.s32 $0x88, s3;
	s6 =	simm.s32 @!p1 $0x1082;
	[sflag:s4] =	ssyncset.s32 $0xFFFFF086  }
0x25: {  	[simem:s6], [sflag:s4] =	dma.local [hbm:s3], $0xF7A  }
0x26: {  	[smem:$0x3F98] =	sst s1;
	(tag) =	ssettag s2;
	_ =	strace s9  }
0x27: {  	s1 =	sld [smem:$0x3FA8]  }
0x28: {  	s2 =	sld [smem:$0x3FA9]  }
0x29: {  	s4 =	sld [smem:$0x3FAB]  }
0x2a: {  	p0 =	seq.s32 s5, $0x0;
	s5 =	sld [smem:$0x3FAC]  }
0x2b: {  	s6 =	sld [smem:$0x3FAD]  }
0x2c: {  	s7 =	sld [smem:$0x3FAE]  }
0x2d: {  	s3 =	simm.s32 $0x108;
	s8 =	sld [smem:$0x3FAF]  }
0x2e: {  	s3 =	simm.s32 @!p0 $0x1082;
	s9 =	sld [smem:$0x3FB0]  }
0x2f: {  	lr =	sadd.s32 s0, s3;
	s0 =	sld [smem:$0x3FA7]  }
0x30: {  	s3 =	sld [smem:$0x3FAA]  }
0x31: {  	[smem:$0x3FB3] =	sst s10  }
0x32: {  	s10 =	sld [smem:$0x3FB1];
	_ =	sdelay $0x3  }
0x33: {  	p0 =	seq.s32 s10, $0x1;
	s10 =	sld [smem:$0x3FB3];
	_ =	sdelay $0x3  }
0x34: {  	[smem:$0x3FB3] =	sst s10  }
0x35: {  	s10 =	sld [smem:$0x3FB2];
	_ =	sdelay $0x3  }
0x36: {  	p1 =	seq.s32 s10, $0x1;
	s10 =	sld [smem:$0x3FB3];
	_ =	sdelay $0x3  }
0x37: {  	[smem:$0x3FB3] =	sst s10  }
0x38: {  	s10 =	sld [smem:$0x3FB4]  }
0x39: {  	_ = 	snop;
	(pc) =	sbr.ind lr, $3  }
0x3a: {  	_ = 	snop  }
0x3b: {  	_ = 	snop  }
0x3c: {  	p2 =	seq.s32 s10, $0x1;
	s10 =	sld [smem:$0x3FB3]  }
0x3d: {  	_ =	shalt  }
0x3e: {  	_ =	shalt  }
0x3f: {  	_ =	shalt  }
0x40: {  	_ =	shalt  }
0x41: {  	_ =	shalt  }
0x42: {  	_ =	shalt  }
0x43: {  	_ =	shalt  }
0x44: {  	_ =	shalt  }
0x45: {  	_ =	shalt  }
0x46: {  	_ =	shalt  }
0x47: {  	_ =	shalt  }
0x48: {  	_ =	shalt  }
0x49: {  	_ =	shalt  }
0x4a: {  	_ =	shalt  }
0x4b: {  	_ =	shalt  }
0x4c: {  	_ =	shalt  }
0x4d: {  	_ =	shalt  }
0x4e: {  	_ =	shalt  }
0x4f: {  	_ =	shalt  }
0x50: {  	_ =	shalt  }
0x51: {  	_ =	shalt  }
0x52: {  	_ =	shalt  }
0x53: {  	_ =	shalt  }
0x54: {  	_ =	shalt  }
0x55: {  	_ =	shalt  }
0x56: {  	_ =	shalt  }
0x57: {  	_ =	shalt  }
0x58: {  	_ =	shalt  }
0x59: {  	_ =	shalt  }
0x5a: {  	_ =	shalt  }
0x5b: {  	_ =	shalt  }
0x5c: {  	_ =	shalt  }
0x5d: {  	_ =	shalt  }
0x5e: {  	_ =	shalt  }
0x5f: {  	_ =	shalt  }
0x60: {  	_ =	shalt  }
0x61: {  	_ =	shalt  }
0x62: {  	_ =	shalt  }
0x63: {  	_ =	shalt  }
0x64: {  	_ =	shalt  }
0x65: {  	_ =	shalt  }
0x66: {  	_ =	shalt  }
0x67: {  	_ =	shalt  }
0x68: {  	_ =	shalt  }
0x69: {  	_ =	shalt  }
0x6a: {  	_ =	shalt  }
0x6b: {  	_ =	shalt  }
0x6c: {  	_ =	shalt  }
0x6d: {  	_ =	shalt  }
0x6e: {  	_ =	shalt  }
0x6f: {  	_ =	shalt  }
0x70: {  	_ =	shalt  }
0x71: {  	_ =	shalt  }
0x72: {  	_ =	shalt  }
0x73: {  	_ =	shalt  }
0x74: {  	_ =	shalt  }
0x75: {  	_ =	shalt  }
0x76: {  	_ =	shalt  }
0x77: {  	_ =	shalt  }
0x78: {  	_ =	shalt  }
0x79: {  	_ =	shalt  }
0x7a: {  	_ =	shalt  }
0x7b: {  	_ =	shalt  }
0x7c: {  	_ =	shalt  }
0x7d: {  	_ =	shalt  }
0x7e: {  	_ =	shalt  }
0x7f: {  	_ =	shalt  }
0x80: {  	_ =	shalt  }
0x81: {  	_ =	shalt  }
0x82: {  	_ =	shalt  }
0x83: {  	_ =	shalt  }
0x84: {  	_ =	shalt  }
0x85: {  	_ =	shalt  }
0x86: {  	_ =	shalt  }
0x87: {  	_ =	shalt  }
.Lfunc_end0:
.L_simem_size_0:
called_computation.1_lowered:
.L_overlay_start_0:
0x88: {  	s2 =	sld [smem:$0x3FD9]  }
0x89: {  	s3 =	sld [smem:$0x3FFE];
	_ =	sdelay $0x1  }
0x8a: {  	s1 =	srdreg.scid  }
0x8b: {  	s0 =	sand.u32 $0x1, s1  }
0x8c: {  	s14 =	sshll.u32 s0, $0xA;
	s2 =	sadd.s32 s3, s2  }
0x8d: {  	s2 =	sadd.s32 s2, s14  }
0x8e: {  	[smem:$0x3FBF] =	sst s2  }
0x8f: {  	_ = 	snop  }
0x90: {  	s2 =	sld [smem:$0x3FD0];
	_ =	sdelay $0x2  }
0x91: {  	s15 =	simm.s32 $0xA;
	s4 =	simm.s32 $0x10  }
0x92: {  	[smem:s4], [sflag:s15] =	dma.local [hbm:s2], $0x1  }
0x93: {  	_ =	swait.eq [sflag:s15], $0x1  }
0x94: {  	[sflag:s15] =	ssyncset.done $0x0  }
0x95: {  	[sflag:s15] =	ssyncadd.s32 $0xFFFFFFFF  }
0x96: {  	s16 =	sld [smem:$0x10];
	(tm) =	ssettm $0x1  }
0x97: {  	s17 =	sld [smem:$0x3FFB];
	_ =	sdelay $0x3  }
0x98: {  	_ =	strace s17  }
0x99: {  	s3 =	sld [smem:$0x3FFC];
	_ =	sdelay $0x3  }
0x9a: {  	_ =	strace s3  }
0x9b: {  	s3 =	sld [smem:$0x3FFD];
	_ =	sdelay $0x3  }
0x9c: {  	_ =	strace s3  }
0x9d: {  	_ =	strace $0x8FFFFFFF  }
0x9e: {  	s18 =	sld [smem:$0x3FDB];
	_ =	sdelay $0x1  }
0x9f: {  	s19 =	simm.s32 $_scs_section_size  }
0xa0: {  	s5 =	simm.s32 $_size__tile_overlayer_lowered;
	s6 =	simm.s32 $_tile_overlayer_lowered  }
0xa1: {  	s22 =	simm.s32 $0x1BFF;
	s21 =	sshll.u32 s6, $0x1;
	s3 =	sadd.s32 s19, s18  }
0xa2: {  	s7 =	simm.s32 $0x0;
	s20 =	sshll.u32 s5, $0x1;
	s5 =	sadd.s32 s21, s3  }
0xa3: {  	[timem:s7], [sflag:s22] =	dma.local [hbm:s5], s20  }
0xa4: {  	_ =	swait.ge [sflag:s22], s20  }
0xa5: {  	s4 =	ssub.s32 $0x0, s20;
	[sflag:s22] =	ssyncset.done $0x0  }
0xa6: {  	[sflag:s22] =	ssyncadd.s32 s4;
	_ =	sdelay $0x1  }
0xa7: {  	s23 =	simm.s32 $0x1B8B  }
0xa8: {  	_ =	swait.ge [sflag:s23], $0x1  }
0xa9: {  	[sflag:s23] =	ssyncset.done $0x0  }
0xaa: {  	s25 =	simm.s32 $0x1B8E;
	s24 =	sld [smem:$0x3FFE];
	[sflag:s23] =	ssyncadd.s32 $0xFFFFFFFF  }
0xab: {  	s26 =	simm.s32 $execute0_lowered;
	[smem:$0x3FD2] =	sst s25  }
0xac: {  	s5 =	sshll.u32 s26, $0x1;
	_ =	strace $0x80000049;
	[dreg:$0x1] =	wrdreg $0xFFFFFFFF  }
0xad: {  	s28 =	simm.s32 $_size_execute0_lowered;
	s3 =	sadd.s32 s3, s5;
	[dreg:$0x0] =	wrdreg $0x0  }
0xae: {  	s5 =	sshll.u32 s28, $0x1;
	[dreg:$0x2] =	wrdreg s3  }
0xaf: {  	[dreg:$0x3] =	wrdreg s5  }
0xb0: {  	[dreg:$0x4] =	wrdreg $0xC0  }
0xb1: {  	_ =	task [dreg:s7], $0x5FFFF  }
0xb2: {  	[dreg:$0x1] =	wrdreg $0xFFFFFFFF  }
0xb3: {  	[dreg:$0x0] =	wrdreg $0x60  }
0xb4: {  	[dreg:$0x2] =	wrdreg s24  }
0xb5: {  	[dreg:$0x3] =	wrdreg s16  }
0xb6: {  	[dreg:$0x4] =	wrdreg $0x22000  }
0xb7: {  	[dreg:$0x5] =	wrdreg $0xC2400  }
0xb8: {  	[dreg:$0x6] =	wrdreg $0x9  }
0xb9: {  	_ =	task.clear_ibuf [dreg:s7], $0x7FFFF;
	_ =	strace $0x90000049  }
0xba: {  	s29 =	simm.s32 $0x9;
	_ =	strace $0x8000004B  }
0xbb: {  	_ =	swait.ge [sflag:s29], $0x1  }
0xbc: {  	[sflag:s29] =	ssyncadd.s32 $0xFFFFFFFF  }
0xbd: {  	_ =	strace $0x9000004B  }
0xbe: {  	_ =	sfence  }
0xbf: {  	s30 =	sld [smem:$0x0];
	_ =	sdelay $0x2  }
0xc0: {  	s31 =	sshll.u32 s1, $0xD;
	s1 =	sshrl.u32 s1, $0x2  }
0xc1: {  	s3 =	sand.u32 $0x4000, s31;
	s1 =	sadd.s32 s1, s30  }
0xc2: {  	s0 =	sor.u32 s3, s0;
	s1 =	sshll.u32 s1, $0x11  }
0xc3: {  	s0 =	sor.u32 s1, s0  }
0xc4: {  	s0 =	sadd.s32 $0x8F2B, s0  }
0xc5: {  	[sflag:s0] =	ssyncadd.remote.s32 $0x1  }
0xc6: {  	_ =	sfence.sel $0xFFFF  }
0xc7: {  	[dreg:$0x0] =	wrdreg $0xFFFFFFFF;
	(pc) =	sbr.abs _section_cstart, $3  }
0xc8: {  	[dreg:$0x1] =	wrdreg $0xFFFFFFFF  }
0xc9: {  	_ =	task.clear_ibuf [dreg:s7], $0x2FFFF;
	_ =	strace $0x9FFFFFFF  }
0xca: {  	(tm) =	ssettm $0x7FFFFFFF  }
0xcb: {  	_ =	shalt  }
tec
execute0_lowered:
.L_overlay_start_1:
0x0: {  	(tag) =	ssettag $0x1  }
0x1: {  	s13 =	stileid.u32  }
0x2: {  	s0 =	rddreg [dreg:$0x0];
	s2 =	smul.u32 $0x140, s13  }
0x3: {  	s1 =	srdreg.scid;
	s8 =	smul.u32 $0x13C00, s13  }
0x4: {  	s3 =	rddreg [dreg:$0x2];
	s9 =	smul.u32 $0x28000, s13  }
0x5: {  	s4 =	rddreg [dreg:$0x3];
	s11 =	smul.u32 $0x4F000, s13  }
0x6: {  	s5 =	simm.s32 $0x0;
	s28 =	simm.s32 $0x1600;
	s21 =	smul.u32 $0x6C00, s13  }
0x7: {  	s29 =	simm.s32 $0x1;
	s31 =	simm.s32 $0x2;
	s12 =	smul.u32 $0x1B000, s13  }
0x8: {  	s15 =	simm.s32 $0x4;
	s1 =	sand.u32 $0x1, s1;
	s23 =	smul.u32 $0xD80, s13  }
0x9: {  	[smem:$0x7FF] =	sst s5;
	s17 =	sadd.s32 $0x5F800, s0;
	s24 =	smul.u32 $0x3600, s13  }
0xa: {  	s10 =	sadd.s32 $0x29800, s0;
	s22 =	sshll.u32 s13, $0x6;
	s7 =	smul.u32 $0x1400, s1  }
0xb: {  	p0 =	sne.s32 s13, $0xF;
	s13 =	simm.s32 $0x880;
	s6 =	smul.u32 $0x13C000, s1  }
0xc: {  	_ =	strace $0x8000004A;
	s1 =	ssub.s32 $0x2, s1;
	s18 =	sor.u32 $0x1C07, s22  }
0xd: {  	s22 =	simm.s32 $0x600;
	s19 =	sshrl.u32 s1, $0x1;
	s9 =	sshrl.u32 s9, $0x2  }
0xe: {  	s11 =	sshrl.u32 s11, $0x2;
	s12 =	sshrl.u32 s12, $0x3;
	s25 =	sadd.s32 s23, s17  }
0xf: {  	s23 =	simm.s32 $0x3;
	[dreg:$0x6] =	wrdreg s18;
	s2 =	sadd.s32 s2, s7  }
0x10: {  	s6 =	sadd.s32 s8, s6;
	s1 =	ssub.s32 s1, s19;
	s20 =	sadd.s32 s9, s3  }
0x11: {  	s11 =	sadd.s32 s11, s4;
	s9 =	sshrl.u32 s21, $0x3;
	s12 =	sadd.s32 s10, s12  }
0x12: {  	s16 =	sadd.s32 $0x1400, s7;
	s21 =	simm.s32 $0x100;
	s19 =	simm.s32 $0x6  }
0x13: {  	s8 =	simm.s32 $0x1A8;
	s2 =	sshll.u32 s2, $0x4;
	s6 =	sshrl.u32 s6, $0x3  }
0x14: {  	s14 =	sadd.s32 s17, s9;
	[dreg:$0x8] =	wrdreg s12;
	s12 =	sadd.s32 $0x80, s12  }
0x15: {  	s1 =	smax.u32 s1, $0x1;
	s26 =	sshrl.u32 s20, $0x3;
	s17 =	simm.s32 $0x7  }
0x16: {  	s30 =	sshrl.u32 s11, $0x3;
	s20 =	simm.s32 $0x700;
	[dreg:$0x7] =	wrdreg s14  }
0x17: {  	s11 =	simm.s32 $0x800;
	v1 =	vmov s16;
	s16 =	simm.s32 $0x900;
	[dreg:$0xa] =	wrdreg s12  }
0x18: {  	s9 =	simm.s32 $0x980;
	s2 =	sadd.s32 s2, s0;
	[dreg:$0xc] =	wrdreg s1  }
0x19: {  	s0 =	sadd.s32 s6, s0;
	s14 =	sadd.s32 $0x20, s14;
	[dreg:$0xe] =	wrdreg s26  }
0x1a: {  	s26 =	simm.s32 $0xA00;
	s1 =	simm.s32 $0x160;
	s6 =	simm.s32 $0x780  }
0x1b: {  	s12 =	simm.s32 $0x190;
	[dreg:$0x10] =	wrdreg s30;
	s2 =	sadd.s32 $0x1800, s2  }
.Ltmp0:
0x1c: {  	[dreg:$0x9] =	wrdreg s14;
	s0 =	sadd.s32 $0x6D000, s0;
	(pc) =	sbr.rel .LBB2_1-.Ltmp0, $4  }
0x1d: {  	s14 =	sadd.s32 s24, s10;
	s24 =	simm.s32 $0x5;
	[dreg:$0x5] =	wrdreg s2  }
0x1e: {  	s2 =	sadd.s32 $0xA0000, s3;
	[dreg:$0xb] =	wrdreg s0;
	s0 =	sadd.s32 $0x40, s25  }
0x1f: {  	s10 =	simm.s32 $0x178;
	[dreg:$0xd] =	wrdreg s0;
	s0 =	sshrl.u32 @!p0 s2, $0x3  }
0x20: {  	v0 =	vmov s7;
	s25 =	simm.s32 $0x18;
	s2 =	simm.s32 $0x0;
	[dreg:$0xf] =	wrdreg s0  }
.LBB2_4:
0x21: {  	[bflag:$0x0] =	sbarrier.arrive $0xFFFF  }
0x22: {  	s18 =	rddreg [dreg:$0x6]  }
0x23: {  	s0 =	rddreg [dreg:$0xb]  }
0x24: {  	s30 =	rddreg [dreg:$0x10]  }
0x25: {  	[hbm:s0], [sflag:s18] =	dma.local [spmem:s30], $0x2780  }
0x26: {  	_ =	swait.ge [sflag:s17], $0x2780  }
0x27: {  	s2 =	rddreg [dreg:$0x11]  }
0x28: {  	s7 =	rddreg [dreg:$0xc];
	s2 =	sadd.s32 $0x1, s2  }
0x29: {  	p1 =	sne.s32 s2, s7  }
.Ltmp1:
0x2a: {  	_ = 	snop;
	(pc) =	sbr.rel @!p1 .LBB2_5-.Ltmp1, $3  }
0x2b: {  	_ =	sdelay $0x1  }
0x2c: {  	[sflag:s17] =	ssyncset.done $0x0  }
0x2d: {  	[sflag:s17] =	ssyncadd.s32 $0xFFFFD880  }
.LBB2_1:
0x2e: {  	[dreg:$0x11] =	wrdreg s2  }
0x2f: {  	s0 =	rddreg [dreg:$0x5]  }
0x30: {  	s7 =	rddreg [dreg:$0xe]  }
0x31: {  	[spmem:s7], [sflag:s18] =	dma.local [hbm:s0], $0x1400  }
0x32: {  	_ =	swait.ge [sflag:s17], $0x1400  }
0x33: {  	[sflag:s17] =	ssyncset.done $0x0  }
0x34: {  	s2 =	rddreg [dreg:$0xf];
	[sflag:s17] =	ssyncadd.s32 $0xFFFFEC00  }
0x35: {  	s7 =	simm.s32 @!p0 $0x7;
	s0 =	rddreg [dreg:$0x1]  }
0x36: {  	[spmem:s2], [sflag:s18] =	dma.local @!p0 [hbm:s0], $0x80  }
0x37: {  	_ =	swait.ge @!p0 [sflag:s7], $0x80  }
0x38: {  	[sflag:s7] =	ssyncset.done @!p0 $0x0  }
0x39: {  	[sflag:s7] =	ssyncadd.s32 @!p0 $0xFFFFFF80  }
0x3a: {  	[spmem:s30], [sflag:s18] =	dma.local [hbm:s0], $0x2780  }
0x3b: {  	_ =	swait.ge [sflag:s17], $0x2780  }
0x3c: {  	[sflag:s17] =	ssyncset.done $0x0  }
0x3d: {  	[sflag:s17] =	ssyncadd.s32 $0xFFFFD880  }
0x3e: {  	[bflag:$0x0] =	sbarrier.arrive $0xFFFF  }
0x3f: {  	s30 =	rddreg [dreg:$0x7]  }
0x40: {  	s2 =	rddreg [dreg:$0x8]  }
0x41: {  	[tilespmem:s5], [sflag:$0x3] =	stream.linear.gather [hbm4b:s30+s5], $0x100, $0x38;
	[tilespmem:$0x1FE40] =	vst v63  }
0x42: {  	s7 =	simm.s32 $0x200;
	s18 =	rddreg [dreg:$0x9]  }
0x43: {  	[tilespmem:s7], [sflag:$0x5] =	stream.linear.gather [hbm4b:s2+s5], $0x400, $0x38;
	[tilespmem:$0x1FE40] =	vst v63  }
0x44: {  	s30 =	rddreg [dreg:$0xa]  }
0x45: {  	[tilespmem:s21], [sflag:$0x4] =	stream.linear.gather [hbm4b:s18+s5], $0x100, $0x38;
	[tilespmem:$0x1FE40] =	vst v63  }
0x46: {  	s7 =	simm.s32 $0x0;
	s18 =	rddreg [dreg:$0xd]  }
0x47: {  	[tilespmem:s22], [sflag:$0x6] =	stream.linear.gather [hbm4b:s30+s5], $0x400, $0x38;
	[tilespmem:$0x1FE40] =	vst v63  }
.LBB2_2:
0x48: {  	_ =	swait.ge [sflag:s23], $0x100  }
0x49: {  	[sflag:s23] =	ssyncset.done $0x0  }
0x4a: {  	[sflag:s23] =	ssyncadd.s32 $0xFFFFFF00  }
0x4b: {  	_ =	swait.ge [sflag:s24], $0x400  }
0x4c: {  	[sflag:s24] =	ssyncset.done $0x0  }
0x4d: {  	[sflag:s24] =	ssyncadd.s32 $0xFFFFFC00  }
0x4e: {  	v2 =	vld [tilespmem:$0x0]  }
0x4f: {  	v3 =	vld [tilespmem:$0x10]  }
0x50: {  	v4 =	vld [tilespmem:$0x20]  }
0x51: {  	v5 =	vld [tilespmem:$0x30]  }
0x52: {  	v6 =	vld [tilespmem:$0x40]  }
0x53: {  	v7 =	vld [tilespmem:$0x50]  }
0x54: {  	v8 =	vld [tilespmem:$0x60];
	vm0 =	vge.s32 v2, v0;
	vm1 =	vlt.s32 v2, v1  }
0x55: {  	v9 =	vld [tilespmem:$0x70];
	vm14 =	vge.s32 v3, v0;
	vm2 =	vlt.s32 v3, v1;
	v2 =	vsub.s32 v2, v0  }
0x56: {  	v11 =	vld [tilespmem:$0x90];
	v3 =	vsub.s32 v3, v0;
	vm15 =	vge.s32 v4, v0;
	vm6 =	vlt.s32 v4, v1  }
0x57: {  	vm7 =	vge.s32 v5, v0;
	vm3 =	vlt.s32 v5, v1;
	v4 =	vsub.s32 v4, v0  }
0x58: {  	v5 =	vsub.s32 v5, v0;
	vm9 =	vge.s32 v6, v0;
	vm10 =	vlt.s32 v6, v1  }
0x59: {  	v10 =	vld [tilespmem:$0x80];
	v6 =	vsub.s32 v6, v0;
	vm12 =	vge.s32 v7, v0;
	vm13 =	vlt.s32 v7, v1  }
0x5a: {  	v7 =	vsub.s32 v7, v0;
	vm4 =	vlt.s32 v8, v1;
	vm5 =	vge.s32 v9, v0  }
0x5b: {  	v46 =	vsub.s32 v8, v0;
	v47 =	vsub.s32 v9, v0;
	v50 =	vsub.s32 v11, v0  }
0x5c: {  	vm0 =	vmand vm0, vm1;
	vm1 =	vmand vm14, vm2;
	vm8 =	vmand vm7, vm3  }
0x5d: {  	vm11 =	vmand vm9, vm10;
	vm14 =	vmand vm12, vm13;
	v2 =	vnsel vm0, $0x1400, v2  }
0x5e: {  	v49 =	vld [tilespmem:$0xB0];
	vm7 =	vge.s32 v10, v0;
	vm9 =	vge.s32 v11, v0;
	v3 =	vnsel vm1, $0x1400, v3;
	[tilespmem:$0x0] =	vst v2  }
0x5f: {  	vm10 =	vlt.s32 v11, v1;
	vm0 =	vmand vm15, vm6;
	v5 =	vnsel vm8, $0x1400, v5;
	[tilespmem:$0x10] =	vst v3  }
0x60: {  	v6 =	vnsel vm11, $0x1400, v6;
	vm15 =	vge.s32 v8, v0;
	vm6 =	vlt.s32 v9, v1;
	v3 =	vld [tilespmem:$0xA0];
	[tilespmem:$0x30] =	vst v5  }
0x61: {  	vm8 =	vlt.s32 v10, v1;
	vm11 =	vmand vm9, vm10;
	v4 =	vnsel vm0, $0x1400, v4;
	[tilespmem:$0x40] =	vst v6  }
0x62: {  	v2 =	vnsel vm14, $0x1400, v7;
	vm0 =	vmand vm15, vm4;
	vm1 =	vmand vm5, vm6;
	[tilespmem:$0x20] =	vst v4  }
0x63: {  	vm15 =	vge.s32 v49, v0;
	vm4 =	vlt.s32 v49, v1;
	v4 =	vnsel vm0, $0x1400, v46;
	[tilespmem:$0x50] =	vst v2  }
0x64: {  	v48 =	vnsel vm1, $0x1400, v47;
	vm0 =	vmand vm7, vm8;
	v2 =	vsub.s32 v10, v0;
	[tilespmem:$0x60] =	vst v4  }
0x65: {  	[tilespmem:$0x70] =	vst v48;
	v2 =	vnsel vm0, $0x1400, v2;
	vm12 =	vge.s32 v3, v0;
	vm13 =	vlt.s32 v3, v1  }
0x66: {  	v4 =	vnsel vm11, $0x1400, v50;
	[tilespmem:$0x80] =	vst v2;
	v2 =	vsub.s32 v3, v0;
	vm14 =	vmand vm12, vm13  }
0x67: {  	vm5 =	vmand vm15, vm4;
	[tilespmem:$0x90] =	vst v4;
	v3 =	vsub.s32 v49, v0;
	v2 =	vnsel vm14, $0x1400, v2  }
0x68: {  	[tilespmem:$0xA0] =	vst v2;
	v2 =	vnsel vm5, $0x1400, v3  }
0x69: {  	[tilespmem:$0xB0] =	vst v2  }
0x6a: {  	[tilespmem:s26], [sflag:$0x1] =	stream.indirect.gather [spmem:s3], $0x80, s5, s25, $0xb8;
	[tilespmem:$0x1FE40] =	vst v63  }
0x6b: {  	_ = 	snop  }
0x6c: {  	[tilespmem:s28], [sflag:$0x2] =	stream.indirect.gather [spmem:s3], $0x80, s25, s25, $0xb8;
	[tilespmem:$0x1FE40] =	vst v63  }
0x6d: {  	_ =	swait.ge [sflag:s29], $0xC00  }
0x6e: {  	[sflag:s29] =	ssyncset.done $0x0  }
0x6f: {  	s0 =	simm.s32 $0x200;
	[sflag:s29] =	ssyncadd.s32 $0xFFFFF400  }
0x70: {  	[spmem:s4] =	stream.indirect.scatter.add.f32 [tilespmem:s26], [sflag:$0x7], $0x80, s0, s25, $0xb8;
	[tilespmem:$0x1FE40] =	vst v63  }
0x71: {  	_ =	swait.ge [sflag:s17], $0xC00  }
0x72: {  	[sflag:s17] =	ssyncset.done $0x0  }
0x73: {  	s30 =	simm.s32 $0x30;
	[sflag:s17] =	ssyncadd.s32 $0xFFFFF400  }
0x74: {  	[tilespmem:s26], [sflag:$0x1] =	stream.indirect.gather [spmem:s3], $0x80, s30, s25, $0xb8;
	[tilespmem:$0x1FE40] =	vst v63  }
0x75: {  	_ =	swait.ge [sflag:s31], $0xC00  }
0x76: {  	[sflag:s31] =	ssyncset.done $0x0  }
0x77: {  	s2 =	simm.s32 $0x280;
	[sflag:s31] =	ssyncadd.s32 $0xFFFFF400  }
0x78: {  	[spmem:s4] =	stream.indirect.scatter.add.f32 [tilespmem:s28], [sflag:$0x7], $0x80, s2, s25, $0xb8;
	[tilespmem:$0x1FE40] =	vst v63  }
0x79: {  	_ =	swait.ge [sflag:s17], $0xC00  }
0x7a: {  	[sflag:s17] =	ssyncset.done $0x0  }
0x7b: {  	s30 =	simm.s32 $0x48;
	[sflag:s17] =	ssyncadd.s32 $0xFFFFF400  }
0x7c: {  	[tilespmem:s28], [sflag:$0x2] =	stream.indirect.gather [spmem:s3], $0x80, s30, s25, $0xb8;
	[tilespmem:$0x1FE40] =	vst v63  }
0x7d: {  	_ =	swait.ge [sflag:s29], $0xC00  }
0x7e: {  	[sflag:s29] =	ssyncset.done $0x0  }
0x7f: {  	s2 =	simm.s32 $0x300;
	[sflag:s29] =	ssyncadd.s32 $0xFFFFF400  }
0x80: {  	[spmem:s4] =	stream.indirect.scatter.add.f32 [tilespmem:s26], [sflag:$0x7], $0x80, s2, s25, $0xb8;
	[tilespmem:$0x1FE40] =	vst v63  }
0x81: {  	_ =	swait.ge [sflag:s17], $0xC00  }
0x82: {  	[sflag:s17] =	ssyncset.done $0x0  }
0x83: {  	s30 =	simm.s32 $0x60;
	[sflag:s17] =	ssyncadd.s32 $0xFFFFF400  }
0x84: {  	[tilespmem:s26], [sflag:$0x1] =	stream.indirect.gather [spmem:s3], $0x80, s30, s25, $0xb8;
	[tilespmem:$0x1FE40] =	vst v63  }
0x85: {  	_ =	swait.ge [sflag:s31], $0xC00  }
0x86: {  	[sflag:s31] =	ssyncset.done $0x0  }
0x87: {  	s2 =	simm.s32 $0x380;
	[sflag:s31] =	ssyncadd.s32 $0xFFFFF400  }
0x88: {  	[spmem:s4] =	stream.indirect.scatter.add.f32 [tilespmem:s28], [sflag:$0x7], $0x80, s2, s25, $0xb8;
	[tilespmem:$0x1FE40] =	vst v63  }
0x89: {  	_ =	swait.ge [sflag:s17], $0xC00  }
0x8a: {  	[sflag:s17] =	ssyncset.done $0x0  }
0x8b: {  	s30 =	simm.s32 $0x78;
	[sflag:s17] =	ssyncadd.s32 $0xFFFFF400  }
0x8c: {  	[tilespmem:s28], [sflag:$0x2] =	stream.indirect.gather [spmem:s3], $0x80, s30, s25, $0xb8;
	[tilespmem:$0x1FE40] =	vst v63  }
0x8d: {  	_ =	swait.ge [sflag:s29], $0xC00  }
0x8e: {  	[sflag:s29] =	ssyncset.done $0x0  }
0x8f: {  	s2 =	simm.s32 $0x400;
	[sflag:s29] =	ssyncadd.s32 $0xFFFFF400  }
0x90: {  	[spmem:s4] =	stream.indirect.scatter.add.f32 [tilespmem:s26], [sflag:$0x7], $0x80, s2, s25, $0xb8;
	[tilespmem:$0x1FE40] =	vst v63  }
0x91: {  	_ =	swait.ge [sflag:s17], $0xC00  }
0x92: {  	[sflag:s17] =	ssyncset.done $0x0  }
0x93: {  	s30 =	simm.s32 $0x90;
	[sflag:s17] =	ssyncadd.s32 $0xFFFFF400  }
0x94: {  	[tilespmem:s26], [sflag:$0x1] =	stream.indirect.gather [spmem:s3], $0x80, s30, s25, $0xb8;
	[tilespmem:$0x1FE40] =	vst v63  }
0x95: {  	_ =	swait.ge [sflag:s31], $0xC00  }
0x96: {  	[sflag:s31] =	ssyncset.done $0x0  }
0x97: {  	s2 =	simm.s32 $0x480;
	[sflag:s31] =	ssyncadd.s32 $0xFFFFF400  }
0x98: {  	[spmem:s4] =	stream.indirect.scatter.add.f32 [tilespmem:s28], [sflag:$0x7], $0x80, s2, s25, $0xb8;
	[tilespmem:$0x1FE40] =	vst v63  }
0x99: {  	_ =	swait.ge [sflag:s17], $0xC00  }
0x9a: {  	[sflag:s17] =	ssyncset.done $0x0  }
0x9b: {  	s30 =	simm.s32 $0xA8;
	[sflag:s17] =	ssyncadd.s32 $0xFFFFF400  }
0x9c: {  	[tilespmem:s28], [sflag:$0x2] =	stream.indirect.gather [spmem:s3], $0x80, s30, s25, $0xb8;
	[tilespmem:$0x1FE40] =	vst v63  }
0x9d: {  	_ =	swait.ge [sflag:s29], $0xC00  }
0x9e: {  	[sflag:s29] =	ssyncset.done $0x0  }
0x9f: {  	s2 =	simm.s32 $0x500;
	[sflag:s29] =	ssyncadd.s32 $0xFFFFF400  }
0xa0: {  	[spmem:s4] =	stream.indirect.scatter.add.f32 [tilespmem:s26], [sflag:$0x7], $0x80, s2, s25, $0xb8;
	[tilespmem:$0x1FE40] =	vst v63  }
0xa1: {  	_ =	swait.ge [sflag:s17], $0xC00  }
0xa2: {  	[sflag:s17] =	ssyncset.done $0x0  }
0xa3: {  	[sflag:s17] =	ssyncadd.s32 $0xFFFFF400  }
0xa4: {  	_ =	swait.ge [sflag:s31], $0xC00  }
0xa5: {  	[sflag:s31] =	ssyncset.done $0x0  }
0xa6: {  	s30 =	simm.s32 $0x580;
	[sflag:s31] =	ssyncadd.s32 $0xFFFFF400  }
0xa7: {  	[spmem:s4] =	stream.indirect.scatter.add.f32 [tilespmem:s28], [sflag:$0x7], $0x80, s30, s25, $0xb8;
	[tilespmem:$0x1FE40] =	vst v63  }
0xa8: {  	_ =	swait.ge [sflag:s17], $0xC00  }
0xa9: {  	p1 =	seq.s32 s7, $0x3500;
	[sflag:s17] =	ssyncset.done $0x0  }
0xaa: {  	s2 =	sadd.s32 @!p1 s7, s14;
	s30 =	simm.s32 @!p1 $0x0;
	[sflag:s17] =	ssyncadd.s32 $0xFFFFF400  }
0xab: {  	[tilespmem:s30], [sflag:$0x3] =	stream.linear.gather @!p1 [hbm4b:s18+s30], $0x100, $0x38;
	[tilespmem:$0x1FE40] =	vst v63  }
0xac: {  	s0 =	simm.s32 @!p1 $0x200;
	s2 =	sadd.s32 @!p1 $0x100, s2  }
0xad: {  	[tilespmem:s0], [sflag:$0x5] =	stream.linear.gather @!p1 [hbm4b:s2+s30], $0x400, $0x38;
	[tilespmem:$0x1FE40] =	vst v63  }
0xae: {  	_ =	swait.ge [sflag:s15], $0x100  }
0xaf: {  	[sflag:s15] =	ssyncset.done $0x0  }
0xb0: {  	[sflag:s15] =	ssyncadd.s32 $0xFFFFFF00  }
0xb1: {  	_ =	swait.ge [sflag:s19], $0x400  }
0xb2: {  	[sflag:s19] =	ssyncset.done $0x0  }
0xb3: {  	[sflag:s19] =	ssyncadd.s32 $0xFFFFFC00  }
0xb4: {  	v2 =	vld [tilespmem:$0x100]  }
0xb5: {  	v3 =	vld [tilespmem:$0x110]  }
0xb6: {  	v51 =	vld [tilespmem:$0x120]  }
0xb7: {  	v52 =	vld [tilespmem:$0x130]  }
0xb8: {  	v53 =	vld [tilespmem:$0x140]  }
0xb9: {  	v54 =	vld [tilespmem:$0x150]  }
0xba: {  	v55 =	vld [tilespmem:$0x160]  }
0xbb: {  	v56 =	vld [tilespmem:$0x170];
	vm6 =	vge.s32 v2, v0;
	vm7 =	vlt.s32 v2, v1  }
0xbc: {  	v58 =	vld [tilespmem:$0x190];
	vm8 =	vge.s32 v3, v0;
	vm9 =	vlt.s32 v3, v1;
	v2 =	vsub.s32 v2, v0  }
0xbd: {  	v3 =	vsub.s32 v3, v0;
	vm10 =	vge.s32 v51, v0;
	vm11 =	vlt.s32 v51, v1  }
0xbe: {  	vm12 =	vge.s32 v52, v0;
	vm13 =	vlt.s32 v52, v1;
	v4 =	vsub.s32 v51, v0  }
0xbf: {  	v5 =	vsub.s32 v52, v0;
	vm15 =	vge.s32 v53, v0;
	v6 =	vsub.s32 v53, v0  }
0xc0: {  	v7 =	vsub.s32 v54, v0;
	v59 =	vsub.s32 v55, v0;
	v60 =	vsub.s32 v56, v0  }
0xc1: {  	v57 =	vld [tilespmem:$0x180];
	v63 =	vsub.s32 v58, v0;
	vm0 =	vmand vm6, vm7;
	vm1 =	vmand vm8, vm9  }
0xc2: {  	vm14 =	vmand vm12, vm13;
	vm6 =	vlt.s32 v53, v1;
	vm8 =	vge.s32 v54, v0  }
0xc3: {  	vm9 =	vlt.s32 v54, v1;
	vm12 =	vlt.s32 v55, v1;
	vm13 =	vge.s32 v56, v0  }
0xc4: {  	v62 =	vld [tilespmem:$0x1B0];
	v2 =	vnsel vm0, $0x1400, v2;
	v3 =	vnsel vm1, $0x1400, v3;
	vm0 =	vmand vm10, vm11  }
0xc5: {  	v5 =	vnsel vm14, $0x1400, v5;
	vm7 =	vmand vm15, vm6;
	vm10 =	vmand vm8, vm9;
	[tilespmem:$0x100] =	vst v2  }
0xc6: {  	vm11 =	vge.s32 v55, v0;
	vm14 =	vlt.s32 v56, v1;
	vm15 =	vge.s32 v57, v0;
	[tilespmem:$0x110] =	vst v3  }
0xc7: {  	vm6 =	vlt.s32 v57, v1;
	vm8 =	vlt.s32 v58, v1;
	v4 =	vnsel vm0, $0x1400, v4;
	v3 =	vld [tilespmem:$0x1A0];
	[tilespmem:$0x130] =	vst v5  }
0xc8: {  	v6 =	vnsel vm7, $0x1400, v6;
	v2 =	vnsel vm10, $0x1400, v7;
	vm0 =	vmand vm11, vm12;
	[tilespmem:$0x120] =	vst v4  }
0xc9: {  	vm1 =	vmand vm13, vm14;
	vm7 =	vge.s32 v58, v0;
	vm13 =	vge.s32 v62, v0;
	[tilespmem:$0x140] =	vst v6  }
0xca: {  	vm14 =	vlt.s32 v62, v1;
	v4 =	vnsel vm0, $0x1400, v59;
	v61 =	vnsel vm1, $0x1400, v60;
	[tilespmem:$0x150] =	vst v2  }
0xcb: {  	vm0 =	vmand vm15, vm6;
	v2 =	vsub.s32 v57, v0;
	vm9 =	vmand vm7, vm8;
	[tilespmem:$0x160] =	vst v4  }
0xcc: {  	v2 =	vnsel vm0, $0x1400, v2;
	[tilespmem:$0x170] =	vst v61;
	vm10 =	vge.s32 v3, v0;
	vm11 =	vlt.s32 v3, v1  }
0xcd: {  	v4 =	vnsel vm9, $0x1400, v63;
	[tilespmem:$0x180] =	vst v2;
	v2 =	vsub.s32 v3, v0;
	vm12 =	vmand vm10, vm11  }
0xce: {  	vm15 =	vmand vm13, vm14;
	[tilespmem:$0x190] =	vst v4;
	v3 =	vsub.s32 v62, v0;
	v2 =	vnsel vm12, $0x1400, v2  }
0xcf: {  	[tilespmem:$0x1A0] =	vst v2;
	v2 =	vnsel vm15, $0x1400, v3  }
0xd0: {  	[tilespmem:$0x1B0] =	vst v2  }
0xd1: {  	[tilespmem:s26], [sflag:$0x1] =	stream.indirect.gather [spmem:s3], $0x80, s21, s25, $0xb8;
	[tilespmem:$0x1FE40] =	vst v63  }
0xd2: {  	s2 =	simm.s32 $0x118  }
0xd3: {  	[tilespmem:s28], [sflag:$0x2] =	stream.indirect.gather [spmem:s3], $0x80, s2, s25, $0xb8;
	[tilespmem:$0x1FE40] =	vst v63  }
0xd4: {  	_ =	swait.ge [sflag:s29], $0xC00  }
0xd5: {  	[sflag:s29] =	ssyncset.done $0x0  }
0xd6: {  	[sflag:s29] =	ssyncadd.s32 $0xFFFFF400  }
0xd7: {  	[spmem:s4] =	stream.indirect.scatter.add.f32 [tilespmem:s26], [sflag:$0x7], $0x80, s22, s25, $0xb8;
	[tilespmem:$0x1FE40] =	vst v63  }
0xd8: {  	_ =	swait.ge [sflag:s17], $0xC00  }
0xd9: {  	[sflag:s17] =	ssyncset.done $0x0  }
0xda: {  	s30 =	simm.s32 $0x130;
	[sflag:s17] =	ssyncadd.s32 $0xFFFFF400  }
0xdb: {  	[tilespmem:s26], [sflag:$0x1] =	stream.indirect.gather [spmem:s3], $0x80, s30, s25, $0xb8;
	[tilespmem:$0x1FE40] =	vst v63  }
0xdc: {  	_ =	swait.ge [sflag:s31], $0xC00  }
0xdd: {  	[sflag:s31] =	ssyncset.done $0x0  }
0xde: {  	s2 =	simm.s32 $0x680;
	[sflag:s31] =	ssyncadd.s32 $0xFFFFF400  }
0xdf: {  	[spmem:s4] =	stream.indirect.scatter.add.f32 [tilespmem:s28], [sflag:$0x7], $0x80, s2, s25, $0xb8;
	[tilespmem:$0x1FE40] =	vst v63  }
0xe0: {  	_ =	swait.ge [sflag:s17], $0xC00  }
0xe1: {  	[sflag:s17] =	ssyncset.done $0x0  }
0xe2: {  	s30 =	simm.s32 $0x148;
	[sflag:s17] =	ssyncadd.s32 $0xFFFFF400  }
0xe3: {  	[tilespmem:s28], [sflag:$0x2] =	stream.indirect.gather [spmem:s3], $0x80, s30, s25, $0xb8;
	[tilespmem:$0x1FE40] =	vst v63  }
0xe4: {  	_ =	swait.ge [sflag:s29], $0xC00  }
0xe5: {  	[sflag:s29] =	ssyncset.done $0x0  }
0xe6: {  	[sflag:s29] =	ssyncadd.s32 $0xFFFFF400  }
0xe7: {  	[spmem:s4] =	stream.indirect.scatter.add.f32 [tilespmem:s26], [sflag:$0x7], $0x80, s20, s25, $0xb8;
	[tilespmem:$0x1FE40] =	vst v63  }
0xe8: {  	_ =	swait.ge [sflag:s17], $0xC00  }
0xe9: {  	[sflag:s17] =	ssyncset.done $0x0  }
0xea: {  	[sflag:s17] =	ssyncadd.s32 $0xFFFFF400  }
0xeb: {  	[tilespmem:s26], [sflag:$0x1] =	stream.indirect.gather [spmem:s3], $0x80, s1, s25, $0xb8;
	[tilespmem:$0x1FE40] =	vst v63  }
0xec: {  	_ =	swait.ge [sflag:s31], $0xC00  }
0xed: {  	[sflag:s31] =	ssyncset.done $0x0  }
0xee: {  	[sflag:s31] =	ssyncadd.s32 $0xFFFFF400  }
0xef: {  	[spmem:s4] =	stream.indirect.scatter.add.f32 [tilespmem:s28], [sflag:$0x7], $0x80, s6, s25, $0xb8;
	[tilespmem:$0x1FE40] =	vst v63  }
0xf0: {  	_ =	swait.ge [sflag:s17], $0xC00  }
0xf1: {  	[sflag:s17] =	ssyncset.done $0x0  }
0xf2: {  	[sflag:s17] =	ssyncadd.s32 $0xFFFFF400  }
0xf3: {  	[tilespmem:s28], [sflag:$0x2] =	stream.indirect.gather [spmem:s3], $0x80, s10, s25, $0xb8;
	[tilespmem:$0x1FE40] =	vst v63  }
0xf4: {  	_ =	swait.ge [sflag:s29], $0xC00  }
0xf5: {  	[sflag:s29] =	ssyncset.done $0x0  }
0xf6: {  	[sflag:s29] =	ssyncadd.s32 $0xFFFFF400  }
0xf7: {  	[spmem:s4] =	stream.indirect.scatter.add.f32 [tilespmem:s26], [sflag:$0x7], $0x80, s11, s25, $0xb8;
	[tilespmem:$0x1FE40] =	vst v63  }
0xf8: {  	_ =	swait.ge [sflag:s17], $0xC00  }
0xf9: {  	[sflag:s17] =	ssyncset.done $0x0  }
0xfa: {  	[sflag:s17] =	ssyncadd.s32 $0xFFFFF400  }
0xfb: {  	[tilespmem:s26], [sflag:$0x1] =	stream.indirect.gather [spmem:s3], $0x80, s12, s25, $0xb8;
	[tilespmem:$0x1FE40] =	vst v63  }
0xfc: {  	_ =	swait.ge [sflag:s31], $0xC00  }
0xfd: {  	[sflag:s31] =	ssyncset.done $0x0  }
0xfe: {  	[sflag:s31] =	ssyncadd.s32 $0xFFFFF400  }
0xff: {  	[spmem:s4] =	stream.indirect.scatter.add.f32 [tilespmem:s28], [sflag:$0x7], $0x80, s13, s25, $0xb8;
	[tilespmem:$0x1FE40] =	vst v63  }
0x100: {  	_ =	swait.ge [sflag:s17], $0xC00  }
0x101: {  	[sflag:s17] =	ssyncset.done $0x0  }
0x102: {  	[sflag:s17] =	ssyncadd.s32 $0xFFFFF400  }
0x103: {  	[tilespmem:s28], [sflag:$0x2] =	stream.indirect.gather [spmem:s3], $0x80, s8, s25, $0xb8;
	[tilespmem:$0x1FE40] =	vst v63  }
0x104: {  	_ =	swait.ge [sflag:s29], $0xC00  }
0x105: {  	[sflag:s29] =	ssyncset.done $0x0  }
0x106: {  	[sflag:s29] =	ssyncadd.s32 $0xFFFFF400  }
0x107: {  	[spmem:s4] =	stream.indirect.scatter.add.f32 [tilespmem:s26], [sflag:$0x7], $0x80, s16, s25, $0xb8;
	[tilespmem:$0x1FE40] =	vst v63  }
0x108: {  	_ =	swait.ge [sflag:s17], $0xC00  }
0x109: {  	[sflag:s17] =	ssyncset.done $0x0  }
0x10a: {  	[sflag:s17] =	ssyncadd.s32 $0xFFFFF400  }
0x10b: {  	_ =	swait.ge [sflag:s31], $0xC00  }
0x10c: {  	[sflag:s31] =	ssyncset.done $0x0  }
.Ltmp2:
0x10d: {  	[sflag:s31] =	ssyncadd.s32 $0xFFFFF400;
	(pc) =	sbr.rel @p1 .LBB2_4-.Ltmp2, $4  }
0x10e: {  	[spmem:s4] =	stream.indirect.scatter.add.f32 [tilespmem:s28], [sflag:$0x7], $0x80, s9, s25, $0xb8;
	[tilespmem:$0x1FE40] =	vst v63  }
0x10f: {  	_ =	swait.ge [sflag:s17], $0xC00  }
0x110: {  	[sflag:s17] =	ssyncset.done $0x0  }
0x111: {  	[sflag:s17] =	ssyncadd.s32 $0xFFFFF400  }
.Ltmp3:
0x112: {  	(pc) =	sbr.rel .LBB2_2-.Ltmp3, $4  }
0x113: {  	s0 =	sadd.s32 $0x20, s18;
	s30 =	sadd.s32 s7, s14  }
0x114: {  	[tilespmem:s21], [sflag:$0x4] =	stream.linear.gather [hbm4b:s0+s5], $0x100, $0x38;
	[tilespmem:$0x1FE40] =	vst v63  }
0x115: {  	s7 =	sadd.s32 $0x100, s7;
	s18 =	sadd.s32 $0x40, s18;
	s0 =	sadd.s32 $0x180, s30  }
0x116: {  	[tilespmem:s22], [sflag:$0x6] =	stream.linear.gather [hbm4b:s0+s5], $0x400, $0x38;
	[tilespmem:$0x1FE40] =	vst v63  }
.LBB2_5:
0x117: {  	_ =	sfence.sel $0x180000  }
0x118: {  	[bflag:$0x0] =	sbarrier.arrive $0xFFFF  }
0x119: {  	_ =	strace $0x9000004A  }
0x11a: {  	s0 =	stileid.u32;
	[bflag:$0x2] =	sbarrier.arrive $0xFFFF  }
0x11b: {  	p0 =	sne.s32 s0, $0x0;
	s0 =	rddreg [dreg:$0x4]  }
0x11c: {  	s0 =	sadd.s32 @!p0 $0x100000, s0  }
0x11d: {  	[sflag:s0] =	ssyncadd.tile.s32 @!p0 $0x1;
	_ =	shalt  }
.Lfunc_end2:
_tile_overlayer_lowered:
.L_overlay_start_2:
0x11e: {  	(tag) =	ssettag $0x2  }
0x11f: {  	s0 =	rddreg [dreg:$0x0];
	s2 =	stileid.u32  }
0x120: {  	s1 =	rddreg [dreg:$0x1];
	p0 =	sne.s32 s2, $0x0  }
0x121: {  	s3 =	rddreg [dreg:$0x2];
	[bflag:$0x3] =	sbarrier.arrive $0xFFFF;
	s2 =	simm.s32 @!p0 $0x1C07  }
0x122: {  	[timem:s3], [sflag:s2] =	dma.local @!p0 [hbm:s0], s1  }
0x123: {  	s0 =	simm.s32 @!p0 $0x7  }
0x124: {  	_ =	swait.ge @!p0 [sflag:s0], s1  }
0x125: {  	s1 =	ssub.s32 @!p0 $0x0, s1;
	[sflag:s0] =	ssyncset.done @!p0 $0x0  }
0x126: {  	[sflag:s0] =	ssyncadd.s32 @!p0 s1  }
0x127: {  	[bflag:$0x3] =	sbarrier.arrive $0xFFFF  }
0x128: {  	_ =	shalt  }

</sc_bundles>
